<compile_context>
chip_gen: v7x
topology: tpu7x:2x2x1
jax: 0.10.2.dev20260603
libtpu: 0.0.44.dev20260713+nightly
codegen_flags: <defaults>
</compile_context>

<pallas_src>
import jax
import jax.numpy as jnp
from jax import lax
from jax.experimental import pallas as pl
from jax.experimental.pallas import tpu as pltpu
from jax.experimental.pallas import tpu_sc as plsc
from jax._src.pallas import mpmd
from jax._src.pallas.mosaic import core as _tpu_core

N_DOCS = 1000000
N_DOCS_PAD = 1000064
N_RANKS = 20
BATCH = 16384
TOTAL = BATCH * N_RANKS
NW = 32
B_PER_W = TOTAL // NW
PAT = 80
PAT_VECS = PAT // 16
CHUNKS = 4
CH_ELEMS = B_PER_W // CHUNKS
NSUB = 16

_vmesh = plsc.VectorSubcoreMesh(core_axis_name="c", subcore_axis_name="s")
_smesh = plsc.ScalarSubcoreMesh(axis_name="c", num_cores=2)


def _sigmoid16(v):
    return 1.0 / (1.0 + jnp.exp(-v))


def _scs_fn(x_hbm, rel_hbm, exam_hbm, y_hbm, exam_out_hbm,
            rel_out_hbm, table_sh, done_sem):
    def inner(dsem):
        pltpu.async_copy(rel_hbm, table_sh, dsem).wait()
        for s in range(NSUB):
            pl.semaphore_signal(done_sem, 1, device_id={"s": s})

    pl.run_scoped(inner, pltpu.SemaphoreType.DMA)


def _tec_fn(x_hbm, rel_hbm, exam_hbm, y_hbm, exam_out_hbm,
            rel_out_hbm, table_sh, done_sem):
    def inner(idx_v, rel_v, y_v, exam_v, exam2_v, g0, g1, g2, g3,
              wsem_r, wsem_y):
        sid = lax.axis_index("s")
        wid = sid * 2 + lax.axis_index("c")
        base = wid * B_PER_W
        gsems = (g0, g1, g2, g3)

        pltpu.sync_copy(x_hbm.at[pl.ds(base, B_PER_W)], idx_v)

        pltpu.sync_copy(exam_hbm, exam_v)
        e0 = _sigmoid16(exam_v[pl.ds(0, 16)])
        e1 = _sigmoid16(exam_v[pl.ds(4, 16)])
        exam2_v[pl.ds(0, 16)] = e0
        exam2_v[pl.ds(4, 16)] = e1

        def _splat_exam(c):
            ci = jnp.full((16,), c, jnp.int32)
            return jnp.where(
                c < 16,
                e0.at[ci].get(mode="promise_in_bounds"),
                e1.at[jnp.maximum(ci - 4, 0)].get(mode="promise_in_bounds"),
            )

        ca = base // BATCH
        ev_a = _splat_exam(ca)
        ev_b = _splat_exam(jnp.minimum(ca + 1, N_RANKS - 1))
        fb = (ca + 1) * BATCH
        iota16 = lax.iota(jnp.int32, 16)

        pl.semaphore_wait(done_sem, 1)
        gathers = []
        for c in range(CHUNKS):
            sl = pl.ds(c * CH_ELEMS, CH_ELEMS)
            gathers.append(
                pltpu.async_copy(table_sh.at[idx_v.at[sl]], rel_v.at[sl],
                                 gsems[c]))

        writes = []
        for c in range(CHUNKS):
            gathers[c].wait()
            cbase = c * CH_ELEMS

            def body(j, _, cbase=cbase):
                b = cbase + j * PAT
                for k in range(PAT_VECS):
                    sl = pl.ds(b + k * 16, 16)
                    s = _sigmoid16(rel_v[sl])
                    rel_v[sl] = s
                    p = (base + b + k * 16) + iota16
                    y_v[sl] = s * jnp.where(p < fb, ev_a, ev_b)
                return _

            lax.fori_loop(0, CH_ELEMS // PAT, body, None)

            sl = pl.ds(cbase, CH_ELEMS)
            osl = pl.ds(base + cbase, CH_ELEMS)
            writes.append(
                pltpu.async_copy(rel_v.at[sl], rel_out_hbm.at[osl], wsem_r))
            writes.append(
                pltpu.async_copy(y_v.at[sl], y_hbm.at[osl], wsem_y))

        @pl.when(wid == 0)
        def _():
            pltpu.sync_copy(exam2_v.at[pl.ds(0, N_RANKS)], exam_out_hbm)

        for w in writes:
            w.wait()

    pl.run_scoped(
        inner,
        pltpu.VMEM((B_PER_W,), jnp.int32),
        pltpu.VMEM((B_PER_W,), jnp.float32),
        pltpu.VMEM((B_PER_W,), jnp.float32),
        pltpu.VMEM((N_RANKS,), jnp.float32),
        pltpu.VMEM((2 * N_RANKS,), jnp.float32),
        pltpu.SemaphoreType.DMA,
        pltpu.SemaphoreType.DMA,
        pltpu.SemaphoreType.DMA,
        pltpu.SemaphoreType.DMA,
        pltpu.SemaphoreType.DMA,
        pltpu.SemaphoreType.DMA,
    )


_pbm_kernel = mpmd.mpmd_map(
    [(_smesh, _scs_fn), (_vmesh, _tec_fn)],
    out_types=[
        jax.ShapeDtypeStruct((TOTAL,), jnp.float32),
        jax.ShapeDtypeStruct((N_RANKS,), jnp.float32),
        jax.ShapeDtypeStruct((TOTAL,), jnp.float32),
    ],
    scratch_types=[
        pltpu.VMEM_SHARED((N_DOCS_PAD,), jnp.float32),
        _tpu_core.SemaphoreType.REGULAR @ _vmesh,
    ],
    compiler_params=pltpu.CompilerParams(use_tc_tiling_on_sc=False),
)


@jax.jit
def kernel(x, rel_table, exam_table):
    xf = x.T.reshape(TOTAL)
    relf = jnp.pad(rel_table, ((0, N_DOCS_PAD - N_DOCS), (0, 0))).reshape(
        N_DOCS_PAD)
    examf = exam_table.reshape(N_RANKS)
    y, exam_o, rel_o = _pbm_kernel(xf, relf, examf)
    return (
        y.reshape(N_RANKS, BATCH).T,
        exam_o,
        rel_o.reshape(N_RANKS, BATCH).T,
    )

# --- scband reference (transcript-rebuilt; emitter-appended) ---
"""Pipeline reference for scband-position-based-model-9148280341141 (READ-ONLY COPY).

The authoritative reference and input builder live on the scoring server;
editing this copy changes nothing except your own understanding.
"""

import jax, jax.numpy as jnp
import numpy as np

N_DOCUMENTS = 1000000
N_RANKS = 20
BATCH = 16384


def setup_inputs(seed: int = 0) -> dict:
    key = jax.random.key(seed)
    k1, k2, k3 = jax.random.split(key, 3)
    x = jax.random.randint(k1, (BATCH, N_RANKS), 0, N_DOCUMENTS, dtype=jnp.int32)
    # learned parameters (flax nn.Embed tables with feature dim 1)
    rel_table = jax.random.normal(k2, (N_DOCUMENTS, 1), dtype=jnp.float32) * 0.02
    exam_table = jax.random.normal(k3, (N_RANKS, 1), dtype=jnp.float32) * 0.02
    return {"x": x, "rel_table": rel_table, "exam_table": exam_table}


def reference(x, rel_table, exam_table):
    # examination: Embed(n_ranks, 1) applied to arange(n_ranks), then sigmoid, squeeze -> [n_ranks]
    ranks = jnp.arange(N_RANKS)
    examination = jax.nn.sigmoid(jnp.take(exam_table, ranks, axis=0)).squeeze()
    # relevance: Embed(n_documents, 1) gathered at x, sigmoid, squeeze -> [batch, n_ranks]
    relevance = jax.nn.sigmoid(jnp.take(rel_table, x, axis=0)).squeeze()
    y_predict = examination * relevance
    # DebugOutput dataclass flattened into tuple (examination, relevance)
    return (y_predict, examination, relevance)

if __name__ == "__main__":
    import jax
    _d = setup_inputs()
    print(jax.jit(kernel)(*tuple(_d.values())))

</pallas_src>

<mosaic_0001>
#map = affine_map<(d0) -> (0)>
#map1 = affine_map<(d0, d1) -> (0)>
module attributes {stable_mosaic.version = 14 : i64} {
  func.func @_scs_fn(%arg0: i32, %arg1: memref<327680xi32, #tpu.memory_space<hbm>>, %arg2: memref<1000064xf32, #tpu.memory_space<hbm>>, %arg3: memref<20xf32, #tpu.memory_space<hbm>>, %arg4: memref<327680xf32, #tpu.memory_space<hbm>>, %arg5: memref<20xf32, #tpu.memory_space<hbm>>, %arg6: memref<327680xf32, #tpu.memory_space<hbm>>, %arg7: memref<1000064xf32, #tpu.memory_space<vmem_shared>>, %arg8: memref<!tpu.semaphore, #tpu.memory_space<semaphore_mem, sc_vector_subcore>>) attributes {dimension_semantics = [#tpu.dimension_semantics<core_parallel>], iteration_bounds = array<i64: 2>, scalar_prefetch = 0 : i64, scratch_operands = 2 : i64, tpu.core_type = #tpu.core_type<sc_scalar_subcore>, window_params = [{transform_indices = #map}, {transform_indices = #map}, {transform_indices = #map}, {transform_indices = #map}, {transform_indices = #map}, {transform_indices = #map}]} {
    "tpu.region"() ({
      %run_scoped3A = tpu.sem_alloc : memref<!tpu.dma_semaphore, #tpu.memory_space<semaphore_mem>>
      tpu.enqueue_dma source(%arg2 : memref<1000064xf32, #tpu.memory_space<hbm>>) target(%arg7 : memref<1000064xf32, #tpu.memory_space<vmem_shared>>) target_semaphore(%run_scoped3A : memref<!tpu.dma_semaphore, #tpu.memory_space<semaphore_mem>>)
      tpu.wait_dma2 semaphore(%run_scoped3A : memref<!tpu.dma_semaphore, #tpu.memory_space<semaphore_mem>>) src(%arg2 : memref<1000064xf32, #tpu.memory_space<hbm>>) dst(%arg7 : memref<1000064xf32, #tpu.memory_space<vmem_shared>>)
      %semaphore_signal3A = arith.constant 1 : i32
      %semaphore_signal3A_0 = arith.constant 0 : i32
      tpu.sem_signal %arg8, %semaphore_signal3A core_id %arg0 subcore_id %semaphore_signal3A_0 : memref<!tpu.semaphore, #tpu.memory_space<semaphore_mem, sc_vector_subcore>>
      %semaphore_signal3A_1 = arith.constant 1 : i32
      %semaphore_signal3A_2 = arith.constant 1 : i32
      tpu.sem_signal %arg8, %semaphore_signal3A_1 core_id %arg0 subcore_id %semaphore_signal3A_2 : memref<!tpu.semaphore, #tpu.memory_space<semaphore_mem, sc_vector_subcore>>
      %semaphore_signal3A_3 = arith.constant 1 : i32
      %semaphore_signal3A_4 = arith.constant 2 : i32
      tpu.sem_signal %arg8, %semaphore_signal3A_3 core_id %arg0 subcore_id %semaphore_signal3A_4 : memref<!tpu.semaphore, #tpu.memory_space<semaphore_mem, sc_vector_subcore>>
      %semaphore_signal3A_5 = arith.constant 1 : i32
      %semaphore_signal3A_6 = arith.constant 3 : i32
      tpu.sem_signal %arg8, %semaphore_signal3A_5 core_id %arg0 subcore_id %semaphore_signal3A_6 : memref<!tpu.semaphore, #tpu.memory_space<semaphore_mem, sc_vector_subcore>>
      %semaphore_signal3A_7 = arith.constant 1 : i32
      %semaphore_signal3A_8 = arith.constant 4 : i32
      tpu.sem_signal %arg8, %semaphore_signal3A_7 core_id %arg0 subcore_id %semaphore_signal3A_8 : memref<!tpu.semaphore, #tpu.memory_space<semaphore_mem, sc_vector_subcore>>
      %semaphore_signal3A_9 = arith.constant 1 : i32
      %semaphore_signal3A_10 = arith.constant 5 : i32
      tpu.sem_signal %arg8, %semaphore_signal3A_9 core_id %arg0 subcore_id %semaphore_signal3A_10 : memref<!tpu.semaphore, #tpu.memory_space<semaphore_mem, sc_vector_subcore>>
      %semaphore_signal3A_11 = arith.constant 1 : i32
      %semaphore_signal3A_12 = arith.constant 6 : i32
      tpu.sem_signal %arg8, %semaphore_signal3A_11 core_id %arg0 subcore_id %semaphore_signal3A_12 : memref<!tpu.semaphore, #tpu.memory_space<semaphore_mem, sc_vector_subcore>>
      %semaphore_signal3A_13 = arith.constant 1 : i32
      %semaphore_signal3A_14 = arith.constant 7 : i32
      tpu.sem_signal %arg8, %semaphore_signal3A_13 core_id %arg0 subcore_id %semaphore_signal3A_14 : memref<!tpu.semaphore, #tpu.memory_space<semaphore_mem, sc_vector_subcore>>
      %semaphore_signal3A_15 = arith.constant 1 : i32
      %semaphore_signal3A_16 = arith.constant 8 : i32
      tpu.sem_signal %arg8, %semaphore_signal3A_15 core_id %arg0 subcore_id %semaphore_signal3A_16 : memref<!tpu.semaphore, #tpu.memory_space<semaphore_mem, sc_vector_subcore>>
      %semaphore_signal3A_17 = arith.constant 1 : i32
      %semaphore_signal3A_18 = arith.constant 9 : i32
      tpu.sem_signal %arg8, %semaphore_signal3A_17 core_id %arg0 subcore_id %semaphore_signal3A_18 : memref<!tpu.semaphore, #tpu.memory_space<semaphore_mem, sc_vector_subcore>>
      %semaphore_signal3A_19 = arith.constant 1 : i32
      %semaphore_signal3A_20 = arith.constant 10 : i32
      tpu.sem_signal %arg8, %semaphore_signal3A_19 core_id %arg0 subcore_id %semaphore_signal3A_20 : memref<!tpu.semaphore, #tpu.memory_space<semaphore_mem, sc_vector_subcore>>
      %semaphore_signal3A_21 = arith.constant 1 : i32
      %semaphore_signal3A_22 = arith.constant 11 : i32
      tpu.sem_signal %arg8, %semaphore_signal3A_21 core_id %arg0 subcore_id %semaphore_signal3A_22 : memref<!tpu.semaphore, #tpu.memory_space<semaphore_mem, sc_vector_subcore>>
      %semaphore_signal3A_23 = arith.constant 1 : i32
      %semaphore_signal3A_24 = arith.constant 12 : i32
      tpu.sem_signal %arg8, %semaphore_signal3A_23 core_id %arg0 subcore_id %semaphore_signal3A_24 : memref<!tpu.semaphore, #tpu.memory_space<semaphore_mem, sc_vector_subcore>>
      %semaphore_signal3A_25 = arith.constant 1 : i32
      %semaphore_signal3A_26 = arith.constant 13 : i32
      tpu.sem_signal %arg8, %semaphore_signal3A_25 core_id %arg0 subcore_id %semaphore_signal3A_26 : memref<!tpu.semaphore, #tpu.memory_space<semaphore_mem, sc_vector_subcore>>
      %semaphore_signal3A_27 = arith.constant 1 : i32
      %semaphore_signal3A_28 = arith.constant 14 : i32
      tpu.sem_signal %arg8, %semaphore_signal3A_27 core_id %arg0 subcore_id %semaphore_signal3A_28 : memref<!tpu.semaphore, #tpu.memory_space<semaphore_mem, sc_vector_subcore>>
      %semaphore_signal3A_29 = arith.constant 1 : i32
      %semaphore_signal3A_30 = arith.constant 15 : i32
      tpu.sem_signal %arg8, %semaphore_signal3A_29 core_id %arg0 subcore_id %semaphore_signal3A_30 : memref<!tpu.semaphore, #tpu.memory_space<semaphore_mem, sc_vector_subcore>>
      tpu.yield
    }) : () -> ()
    return
  }
  func.func @_tec_fn(%arg0: i32, %arg1: i32, %arg2: memref<327680xi32, #tpu.memory_space<hbm>>, %arg3: memref<1000064xf32, #tpu.memory_space<hbm>>, %arg4: memref<20xf32, #tpu.memory_space<hbm>>, %arg5: memref<327680xf32, #tpu.memory_space<hbm>>, %arg6: memref<20xf32, #tpu.memory_space<hbm>>, %arg7: memref<327680xf32, #tpu.memory_space<hbm>>, %arg8: memref<1000064xf32, #tpu.memory_space<vmem_shared>>, %arg9: memref<!tpu.semaphore, #tpu.memory_space<semaphore_mem>>) attributes {dimension_semantics = [#tpu.dimension_semantics<core_parallel>, #tpu.dimension_semantics<subcore_parallel>], iteration_bounds = array<i64: 2, 16>, scalar_prefetch = 0 : i64, scratch_operands = 2 : i64, tpu.core_type = #tpu.core_type<sc_vector_subcore>, window_params = [{transform_indices = #map1}, {transform_indices = #map1}, {transform_indices = #map1}, {transform_indices = #map1}, {transform_indices = #map1}, {transform_indices = #map1}]} {
    "tpu.region"() ({
      %run_scoped3A = memref.alloca() : memref<10240xi32, #tpu.memory_space<vmem>>
      %run_scoped3A_0 = memref.alloca() : memref<10240xf32, #tpu.memory_space<vmem>>
      %run_scoped3A_1 = memref.alloca() : memref<10240xf32, #tpu.memory_space<vmem>>
      %run_scoped3A_2 = memref.alloca() : memref<20xf32, #tpu.memory_space<vmem>>
      %run_scoped3A_3 = memref.alloca() : memref<40xf32, #tpu.memory_space<vmem>>
      %run_scoped3A_4 = tpu.sem_alloc : memref<!tpu.dma_semaphore, #tpu.memory_space<semaphore_mem>>
      %run_scoped3A_5 = tpu.sem_alloc : memref<!tpu.dma_semaphore, #tpu.memory_space<semaphore_mem>>
      %run_scoped3A_6 = tpu.sem_alloc : memref<!tpu.dma_semaphore, #tpu.memory_space<semaphore_mem>>
      %run_scoped3A_7 = tpu.sem_alloc : memref<!tpu.dma_semaphore, #tpu.memory_space<semaphore_mem>>
      %run_scoped3A_8 = tpu.sem_alloc : memref<!tpu.dma_semaphore, #tpu.memory_space<semaphore_mem>>
      %run_scoped3A_9 = tpu.sem_alloc : memref<!tpu.dma_semaphore, #tpu.memory_space<semaphore_mem>>
      %mul3A = arith.constant 2 : i32
      %mul3A_10 = arith.muli %arg1, %mul3A : i32
      %add3A = arith.addi %mul3A_10, %arg0 : i32
      %mul3A_11 = arith.constant 10240 : i32
      %mul3A_12 = arith.muli %add3A, %mul3A_11 : i32
      "tpu.region"() ({
        %run_scoped3A_294 = tpu.sem_alloc : memref<!tpu.dma_semaphore, #tpu.memory_space<semaphore_mem>>
        %dma_start3A_295 = tpu.memref_slice %arg2[%mul3A_12] : memref<327680xi32, #tpu.memory_space<hbm>> -> memref<10240xi32, #tpu.memory_space<hbm>>
        %dma_start3A_296 = tpu.memref_slice %arg2[%mul3A_12] : memref<327680xi32, #tpu.memory_space<hbm>> -> memref<10240xi32, #tpu.memory_space<hbm>>
        tpu.enqueue_dma source(%dma_start3A_296 : memref<10240xi32, #tpu.memory_space<hbm>>) target(%run_scoped3A : memref<10240xi32, #tpu.memory_space<vmem>>) target_semaphore(%run_scoped3A_294 : memref<!tpu.dma_semaphore, #tpu.memory_space<semaphore_mem>>)
        %dma_wait3A_297 = tpu.memref_slice %arg2[%mul3A_12] : memref<327680xi32, #tpu.memory_space<hbm>> -> memref<10240xi32, #tpu.memory_space<hbm>>
        %dma_wait3A_298 = tpu.memref_slice %arg2[%mul3A_12] : memref<327680xi32, #tpu.memory_space<hbm>> -> memref<10240xi32, #tpu.memory_space<hbm>>
        tpu.wait_dma2 semaphore(%run_scoped3A_294 : memref<!tpu.dma_semaphore, #tpu.memory_space<semaphore_mem>>) src(%dma_wait3A_298 : memref<10240xi32, #tpu.memory_space<hbm>>) dst(%run_scoped3A : memref<10240xi32, #tpu.memory_space<vmem>>)
        tpu.yield
      }) : () -> ()
      "tpu.region"() ({
        %run_scoped3A_294 = tpu.sem_alloc : memref<!tpu.dma_semaphore, #tpu.memory_space<semaphore_mem>>
        tpu.enqueue_dma source(%arg4 : memref<20xf32, #tpu.memory_space<hbm>>) target(%run_scoped3A_2 : memref<20xf32, #tpu.memory_space<vmem>>) target_semaphore(%run_scoped3A_294 : memref<!tpu.dma_semaphore, #tpu.memory_space<semaphore_mem>>)
        tpu.wait_dma2 semaphore(%run_scoped3A_294 : memref<!tpu.dma_semaphore, #tpu.memory_space<semaphore_mem>>) src(%arg4 : memref<20xf32, #tpu.memory_space<hbm>>) dst(%run_scoped3A_2 : memref<20xf32, #tpu.memory_space<vmem>>)
        tpu.yield
      }) : () -> ()
      %get3A = arith.constant 0 : index
      %get3A_13 = tpu.vector_load %run_scoped3A_2[%get3A] {strides = array<i32>} : memref<20xf32, #tpu.memory_space<vmem>>, vector<16xf32>,
      %get3A_14 = vector.shape_cast %get3A_13 : vector<16xf32> to vector<16xf32>
      %neg3A = arith.constant 0.000000e+00 : f32
      %neg3A_15 = vector.broadcast %neg3A : f32 to vector<16xf32>
      %neg3A_16 = arith.subf %neg3A_15, %get3A_14 : vector<16xf32>
      %exp3A = math.exp %neg3A_16 : vector<16xf32>
      %add3A_17 = arith.constant 1.000000e+00 : f32
      %add3A_18 = vector.broadcast %add3A_17 : f32 to vector<16xf32>
      %add3A_19 = arith.addf %add3A_18, %exp3A : vector<16xf32>
      %div3A = arith.constant 1.000000e+00 : f32
      %div3A_20 = vector.broadcast %div3A : f32 to vector<16xf32>
      %div3A_21 = arith.divf %div3A_20, %add3A_19 : vector<16xf32>
      %get3A_22 = arith.constant 4 : index
      %get3A_23 = tpu.vector_load %run_scoped3A_2[%get3A_22] {strides = array<i32>} : memref<20xf32, #tpu.memory_space<vmem>>, vector<16xf32>,
      %get3A_24 = vector.shape_cast %get3A_23 : vector<16xf32> to vector<16xf32>
      %neg3A_25 = arith.constant 0.000000e+00 : f32
      %neg3A_26 = vector.broadcast %neg3A_25 : f32 to vector<16xf32>
      %neg3A_27 = arith.subf %neg3A_26, %get3A_24 : vector<16xf32>
      %exp3A_28 = math.exp %neg3A_27 : vector<16xf32>
      %add3A_29 = arith.constant 1.000000e+00 : f32
      %add3A_30 = vector.broadcast %add3A_29 : f32 to vector<16xf32>
      %add3A_31 = arith.addf %add3A_30, %exp3A_28 : vector<16xf32>
      %div3A_32 = arith.constant 1.000000e+00 : f32
      %div3A_33 = vector.broadcast %div3A_32 : f32 to vector<16xf32>
      %div3A_34 = arith.divf %div3A_33, %add3A_31 : vector<16xf32>
      %swap3A = arith.constant 0 : index
      %swap3A_35 = tpu.vector_load %run_scoped3A_3[%swap3A] {strides = array<i32>} : memref<40xf32, #tpu.memory_space<vmem>>, vector<16xf32>,
      %swap3A_36 = vector.shape_cast %swap3A_35 : vector<16xf32> to vector<16xf32>
      %swap3A_37 = vector.shape_cast %div3A_21 : vector<16xf32> to vector<16xf32>
      tpu.vector_store %run_scoped3A_3[%swap3A], %swap3A_37 {strides = array<i32>} : memref<40xf32, #tpu.memory_space<vmem>>, vector<16xf32>,
      %swap3A_38 = arith.constant 4 : index
      %swap3A_39 = tpu.vector_load %run_scoped3A_3[%swap3A_38] {strides = array<i32>} : memref<40xf32, #tpu.memory_space<vmem>>, vector<16xf32>,
      %swap3A_40 = vector.shape_cast %swap3A_39 : vector<16xf32> to vector<16xf32>
      %swap3A_41 = vector.shape_cast %div3A_34 : vector<16xf32> to vector<16xf32>
      tpu.vector_store %run_scoped3A_3[%swap3A_38], %swap3A_41 {strides = array<i32>} : memref<40xf32, #tpu.memory_space<vmem>>, vector<16xf32>,
      %jit3A = arith.constant 16384 : i32
      %div3A_42 = arith.divsi %mul3A_12, %jit3A : i32
      %sign3A = arith.constant 0 : i32
      %sign3A_43 = arith.cmpi sgt, %mul3A_12, %sign3A : i32
      %sign3A_44 = arith.extui %sign3A_43 : i1 to i32
      %sign3A_45 = arith.constant 0 : i32
      %sign3A_46 = arith.cmpi slt, %mul3A_12, %sign3A_45 : i32
      %sign3A_47 = arith.extui %sign3A_46 : i1 to i32
      %sign3A_48 = arith.subi %sign3A_44, %sign3A_47 : i32
      %sign3A_49 = arith.constant 0 : i32
      %sign3A_50 = arith.cmpi sgt, %jit3A, %sign3A_49 : i32
      %sign3A_51 = arith.extui %sign3A_50 : i1 to i32
      %sign3A_52 = arith.constant 0 : i32
      %sign3A_53 = arith.cmpi slt, %jit3A, %sign3A_52 : i32
      %sign3A_54 = arith.extui %sign3A_53 : i1 to i32
      %sign3A_55 = arith.subi %sign3A_51, %sign3A_54 : i32
      %ne3A = arith.cmpi ne, %sign3A_48, %sign3A_55 : i32
      %rem3A = arith.remsi %mul3A_12, %jit3A : i32
      %ne3A_56 = arith.constant 0 : i32
      %ne3A_57 = arith.cmpi ne, %rem3A, %ne3A_56 : i32
      %and3A = arith.andi %ne3A, %ne3A_57 : i1
      %sub3A = arith.constant 1 : i32
      %sub3A_58 = arith.subi %div3A_42, %sub3A : i32
      %select_n3A = arith.select %and3A, %sub3A_58, %div3A_42 : i32
      %broadcast_in_dim3A = vector.broadcast %select_n3A : i32 to vector<16xi32>
      %lt3A = arith.constant 16 : i32
      %lt3A_59 = arith.cmpi slt, %select_n3A, %lt3A : i32
      %lt3A_60 = arith.constant 0 : i32
      %lt3A_61 = vector.broadcast %lt3A_60 : i32 to vector<16xi32>
      %lt3A_62 = arith.cmpi slt, %broadcast_in_dim3A, %lt3A_61 : vector<16xi32>
      %add3A_63 = arith.constant 16 : i32
      %add3A_64 = vector.broadcast %add3A_63 : i32 to vector<16xi32>
      %add3A_65 = arith.addi %broadcast_in_dim3A, %add3A_64 : vector<16xi32>
      %select_n3A_66 = arith.select %lt3A_62, %add3A_65, %broadcast_in_dim3A : vector<16xi1>, vector<16xi32>
      %broadcast_in_dim3A_67 = vector.shape_cast %select_n3A_66 : vector<16xi32> to vector<16x1xi32>
      %gather3A = vector.shape_cast %broadcast_in_dim3A_67 : vector<16x1xi32> to vector<16xi32>
      %gather3A_68 = tpu.dynamic_gather %div3A_21[%gather3A] in [0] : vector<16xf32>, vector<16xi32> -> vector<16xf32>
      %sub3A_69 = arith.constant 4 : i32
      %sub3A_70 = vector.broadcast %sub3A_69 : i32 to vector<16xi32>
      %sub3A_71 = arith.subi %broadcast_in_dim3A, %sub3A_70 : vector<16xi32>
      %max3A = arith.constant 0 : i32
      %max3A_72 = vector.broadcast %max3A : i32 to vector<16xi32>
      %max3A_73 = arith.maxsi %sub3A_71, %max3A_72 : vector<16xi32>
      %lt3A_74 = arith.constant 0 : i32
      %lt3A_75 = vector.broadcast %lt3A_74 : i32 to vector<16xi32>
      %lt3A_76 = arith.cmpi slt, %max3A_73, %lt3A_75 : vector<16xi32>
      %add3A_77 = arith.constant 16 : i32
      %add3A_78 = vector.broadcast %add3A_77 : i32 to vector<16xi32>
      %add3A_79 = arith.addi %max3A_73, %add3A_78 : vector<16xi32>
      %select_n3A_80 = arith.select %lt3A_76, %add3A_79, %max3A_73 : vector<16xi1>, vector<16xi32>
      %broadcast_in_dim3A_81 = vector.shape_cast %select_n3A_80 : vector<16xi32> to vector<16x1xi32>
      %gather3A_82 = vector.shape_cast %broadcast_in_dim3A_81 : vector<16x1xi32> to vector<16xi32>
      %gather3A_83 = tpu.dynamic_gather %div3A_34[%gather3A_82] in [0] : vector<16xf32>, vector<16xi32> -> vector<16xf32>
      %select_n3A_84 = arith.select %lt3A_59, %gather3A_68, %gather3A_83 : vector<16xf32>
      %add3A_85 = arith.constant 1 : i32
      %add3A_86 = arith.addi %select_n3A, %add3A_85 : i32
      %min3A = arith.constant 19 : i32
      %min3A_87 = arith.minsi %add3A_86, %min3A : i32
      %broadcast_in_dim3A_88 = vector.broadcast %min3A_87 : i32 to vector<16xi32>
      %lt3A_89 = arith.constant 16 : i32
      %lt3A_90 = arith.cmpi slt, %min3A_87, %lt3A_89 : i32
      %lt3A_91 = arith.constant 0 : i32
      %lt3A_92 = vector.broadcast %lt3A_91 : i32 to vector<16xi32>
      %lt3A_93 = arith.cmpi slt, %broadcast_in_dim3A_88, %lt3A_92 : vector<16xi32>
      %add3A_94 = arith.constant 16 : i32
      %add3A_95 = vector.broadcast %add3A_94 : i32 to vector<16xi32>
      %add3A_96 = arith.addi %broadcast_in_dim3A_88, %add3A_95 : vector<16xi32>
      %select_n3A_97 = arith.select %lt3A_93, %add3A_96, %broadcast_in_dim3A_88 : vector<16xi1>, vector<16xi32>
      %broadcast_in_dim3A_98 = vector.shape_cast %select_n3A_97 : vector<16xi32> to vector<16x1xi32>
      %gather3A_99 = vector.shape_cast %broadcast_in_dim3A_98 : vector<16x1xi32> to vector<16xi32>
      %gather3A_100 = tpu.dynamic_gather %div3A_21[%gather3A_99] in [0] : vector<16xf32>, vector<16xi32> -> vector<16xf32>
      %sub3A_101 = arith.constant 4 : i32
      %sub3A_102 = vector.broadcast %sub3A_101 : i32 to vector<16xi32>
      %sub3A_103 = arith.subi %broadcast_in_dim3A_88, %sub3A_102 : vector<16xi32>
      %max3A_104 = arith.constant 0 : i32
      %max3A_105 = vector.broadcast %max3A_104 : i32 to vector<16xi32>
      %max3A_106 = arith.maxsi %sub3A_103, %max3A_105 : vector<16xi32>
      %lt3A_107 = arith.constant 0 : i32
      %lt3A_108 = vector.broadcast %lt3A_107 : i32 to vector<16xi32>
      %lt3A_109 = arith.cmpi slt, %max3A_106, %lt3A_108 : vector<16xi32>
      %add3A_110 = arith.constant 16 : i32
      %add3A_111 = vector.broadcast %add3A_110 : i32 to vector<16xi32>
      %add3A_112 = arith.addi %max3A_106, %add3A_111 : vector<16xi32>
      %select_n3A_113 = arith.select %lt3A_109, %add3A_112, %max3A_106 : vector<16xi1>, vector<16xi32>
      %broadcast_in_dim3A_114 = vector.shape_cast %select_n3A_113 : vector<16xi32> to vector<16x1xi32>
      %gather3A_115 = vector.shape_cast %broadcast_in_dim3A_114 : vector<16x1xi32> to vector<16xi32>
      %gather3A_116 = tpu.dynamic_gather %div3A_34[%gather3A_115] in [0] : vector<16xf32>, vector<16xi32> -> vector<16xf32>
      %select_n3A_117 = arith.select %lt3A_90, %gather3A_100, %gather3A_116 : vector<16xf32>
      %add3A_118 = arith.constant 1 : i32
      %add3A_119 = arith.addi %select_n3A, %add3A_118 : i32
      %mul3A_120 = arith.constant 16384 : i32
      %mul3A_121 = arith.muli %add3A_119, %mul3A_120 : i32
      %iota3A = tpu.iota {dimensions = array<i32: 0>} : vector<16xi32>
      %semaphore_wait3A = arith.constant 1 : i32
      %semaphore_wait3A_122 = arith.constant true
      tpu.sem_wait %arg9, %semaphore_wait3A : memref<!tpu.semaphore, #tpu.memory_space<semaphore_mem>>
      %dma_start3A = arith.constant 0 : i32
      %dma_start3A_123 = tpu.memref_slice %run_scoped3A_0[%dma_start3A] : memref<10240xf32, #tpu.memory_space<vmem>> -> memref<2560xf32, #tpu.memory_space<vmem>>
      %dma_start3A_124 = arith.constant 0 : i32
      %dma_start3A_125 = tpu.memref_slice %run_scoped3A[%dma_start3A_124] : memref<10240xi32, #tpu.memory_space<vmem>> -> memref<2560xi32, #tpu.memory_space<vmem>>
      %dma_start3A_126 = arith.constant 0 : i32
      %dma_start3A_127 = tpu.memref_slice %arg8[%dma_start3A_126] : memref<1000064xf32, #tpu.memory_space<vmem_shared>> -> memref<1000064xf32, #tpu.memory_space<vmem_shared>>
      tpu.enqueue_indirect_dma source(%dma_start3A_127 : memref<1000064xf32, #tpu.memory_space<vmem_shared>>) target(%dma_start3A_123 : memref<2560xf32, #tpu.memory_space<vmem>>) offsets(%dma_start3A_125 : memref<2560xi32, #tpu.memory_space<vmem>>) semaphore(%run_scoped3A_4 : memref<!tpu.dma_semaphore, #tpu.memory_space<semaphore_mem>>)
      %dma_start3A_128 = arith.constant 2560 : i32
      %dma_start3A_129 = tpu.memref_slice %run_scoped3A_0[%dma_start3A_128] : memref<10240xf32, #tpu.memory_space<vmem>> -> memref<2560xf32, #tpu.memory_space<vmem>>
      %dma_start3A_130 = arith.constant 2560 : i32
      %dma_start3A_131 = tpu.memref_slice %run_scoped3A[%dma_start3A_130] : memref<10240xi32, #tpu.memory_space<vmem>> -> memref<2560xi32, #tpu.memory_space<vmem>>
      %dma_start3A_132 = arith.constant 0 : i32
      %dma_start3A_133 = tpu.memref_slice %arg8[%dma_start3A_132] : memref<1000064xf32, #tpu.memory_space<vmem_shared>> -> memref<1000064xf32, #tpu.memory_space<vmem_shared>>
      tpu.enqueue_indirect_dma source(%dma_start3A_133 : memref<1000064xf32, #tpu.memory_space<vmem_shared>>) target(%dma_start3A_129 : memref<2560xf32, #tpu.memory_space<vmem>>) offsets(%dma_start3A_131 : memref<2560xi32, #tpu.memory_space<vmem>>) semaphore(%run_scoped3A_5 : memref<!tpu.dma_semaphore, #tpu.memory_space<semaphore_mem>>)
      %dma_start3A_134 = arith.constant 5120 : i32
      %dma_start3A_135 = tpu.memref_slice %run_scoped3A_0[%dma_start3A_134] : memref<10240xf32, #tpu.memory_space<vmem>> -> memref<2560xf32, #tpu.memory_space<vmem>>
      %dma_start3A_136 = arith.constant 5120 : i32
      %dma_start3A_137 = tpu.memref_slice %run_scoped3A[%dma_start3A_136] : memref<10240xi32, #tpu.memory_space<vmem>> -> memref<2560xi32, #tpu.memory_space<vmem>>
      %dma_start3A_138 = arith.constant 0 : i32
      %dma_start3A_139 = tpu.memref_slice %arg8[%dma_start3A_138] : memref<1000064xf32, #tpu.memory_space<vmem_shared>> -> memref<1000064xf32, #tpu.memory_space<vmem_shared>>
      tpu.enqueue_indirect_dma source(%dma_start3A_139 : memref<1000064xf32, #tpu.memory_space<vmem_shared>>) target(%dma_start3A_135 : memref<2560xf32, #tpu.memory_space<vmem>>) offsets(%dma_start3A_137 : memref<2560xi32, #tpu.memory_space<vmem>>) semaphore(%run_scoped3A_6 : memref<!tpu.dma_semaphore, #tpu.memory_space<semaphore_mem>>)
      %dma_start3A_140 = arith.constant 7680 : i32
      %dma_start3A_141 = tpu.memref_slice %run_scoped3A_0[%dma_start3A_140] : memref<10240xf32, #tpu.memory_space<vmem>> -> memref<2560xf32, #tpu.memory_space<vmem>>
      %dma_start3A_142 = arith.constant 7680 : i32
      %dma_start3A_143 = tpu.memref_slice %run_scoped3A[%dma_start3A_142] : memref<10240xi32, #tpu.memory_space<vmem>> -> memref<2560xi32, #tpu.memory_space<vmem>>
      %dma_start3A_144 = arith.constant 0 : i32
      %dma_start3A_145 = tpu.memref_slice %arg8[%dma_start3A_144] : memref<1000064xf32, #tpu.memory_space<vmem_shared>> -> memref<1000064xf32, #tpu.memory_space<vmem_shared>>
      tpu.enqueue_indirect_dma source(%dma_start3A_145 : memref<1000064xf32, #tpu.memory_space<vmem_shared>>) target(%dma_start3A_141 : memref<2560xf32, #tpu.memory_space<vmem>>) offsets(%dma_start3A_143 : memref<2560xi32, #tpu.memory_space<vmem>>) semaphore(%run_scoped3A_7 : memref<!tpu.dma_semaphore, #tpu.memory_space<semaphore_mem>>)
      %dma_wait3A = arith.constant 0 : i32
      %dma_wait3A_146 = tpu.memref_slice %run_scoped3A_0[%dma_wait3A] : memref<10240xf32, #tpu.memory_space<vmem>> -> memref<2560xf32, #tpu.memory_space<vmem>>
      %dma_wait3A_147 = arith.constant 0 : i32
      %dma_wait3A_148 = tpu.memref_slice %run_scoped3A[%dma_wait3A_147] : memref<10240xi32, #tpu.memory_space<vmem>> -> memref<2560xi32, #tpu.memory_space<vmem>>
      %dma_wait3A_149 = arith.constant 0 : i32
      %dma_wait3A_150 = tpu.memref_slice %arg8[%dma_wait3A_149] : memref<1000064xf32, #tpu.memory_space<vmem_shared>> -> memref<1000064xf32, #tpu.memory_space<vmem_shared>>
      tpu.wait_indirect_dma semaphore(%run_scoped3A_4 : memref<!tpu.dma_semaphore, #tpu.memory_space<semaphore_mem>>) src(%dma_wait3A_150 : memref<1000064xf32, #tpu.memory_space<vmem_shared>>) dst(%dma_wait3A_146 : memref<2560xf32, #tpu.memory_space<vmem>>)
      %scan3A = arith.constant 0 : i32
      %scan3A_151 = arith.constant 32 : i32
      %scan3A_152 = arith.addi %scan3A, %scan3A_151 : i32
      %scan3A_153 = arith.constant 1 : i32
      scf.for %scan3A_294 = %scan3A to %scan3A_152 step %scan3A_153  : i32 {
        %mul3A_295 = arith.constant 80 : i32
        %mul3A_296 = arith.muli %scan3A_294, %mul3A_295 : i32
        %add3A_297 = arith.constant 0 : i32
        %add3A_298 = arith.addi %add3A_297, %mul3A_296 : i32
        %add3A_299 = arith.constant 0 : i32
        %add3A_300 = arith.addi %add3A_298, %add3A_299 : i32
        %get3A_301 = arith.index_cast %add3A_300 : i32 to index
        %get3A_302 = tpu.vector_load %run_scoped3A_0[%get3A_301] {strides = array<i32>} : memref<10240xf32, #tpu.memory_space<vmem>>, vector<16xf32>,
        %get3A_303 = vector.shape_cast %get3A_302 : vector<16xf32> to vector<16xf32>
        %neg3A_304 = arith.constant 0.000000e+00 : f32
        %neg3A_305 = vector.broadcast %neg3A_304 : f32 to vector<16xf32>
        %neg3A_306 = arith.subf %neg3A_305, %get3A_303 : vector<16xf32>
        %exp3A_307 = math.exp %neg3A_306 : vector<16xf32>
        %add3A_308 = arith.constant 1.000000e+00 : f32
        %add3A_309 = vector.broadcast %add3A_308 : f32 to vector<16xf32>
        %add3A_310 = arith.addf %add3A_309, %exp3A_307 : vector<16xf32>
        %div3A_311 = arith.constant 1.000000e+00 : f32
        %div3A_312 = vector.broadcast %div3A_311 : f32 to vector<16xf32>
        %div3A_313 = arith.divf %div3A_312, %add3A_310 : vector<16xf32>
        %swap3A_314 = arith.index_cast %add3A_300 : i32 to index
        %swap3A_315 = tpu.vector_load %run_scoped3A_0[%swap3A_314] {strides = array<i32>} : memref<10240xf32, #tpu.memory_space<vmem>>, vector<16xf32>,
        %swap3A_316 = vector.shape_cast %swap3A_315 : vector<16xf32> to vector<16xf32>
        %swap3A_317 = vector.shape_cast %div3A_313 : vector<16xf32> to vector<16xf32>
        tpu.vector_store %run_scoped3A_0[%swap3A_314], %swap3A_317 {strides = array<i32>} : memref<10240xf32, #tpu.memory_space<vmem>>, vector<16xf32>,
        %add3A_318 = arith.addi %mul3A_12, %add3A_298 : i32
        %add3A_319 = arith.constant 0 : i32
        %add3A_320 = arith.addi %add3A_318, %add3A_319 : i32
        %add3A_321 = vector.broadcast %add3A_320 : i32 to vector<16xi32>
        %add3A_322 = arith.addi %add3A_321, %iota3A : vector<16xi32>
        %lt3A_323 = vector.broadcast %mul3A_121 : i32 to vector<16xi32>
        %lt3A_324 = arith.cmpi slt, %add3A_322, %lt3A_323 : vector<16xi32>
        %select_n3A_325 = arith.select %lt3A_324, %select_n3A_84, %select_n3A_117 : vector<16xi1>, vector<16xf32>
        %mul3A_326 = arith.mulf %div3A_313, %select_n3A_325 : vector<16xf32>
        %swap3A_327 = arith.index_cast %add3A_300 : i32 to index
        %swap3A_328 = tpu.vector_load %run_scoped3A_1[%swap3A_327] {strides = array<i32>} : memref<10240xf32, #tpu.memory_space<vmem>>, vector<16xf32>,
        %swap3A_329 = vector.shape_cast %swap3A_328 : vector<16xf32> to vector<16xf32>
        %swap3A_330 = vector.shape_cast %mul3A_326 : vector<16xf32> to vector<16xf32>
        tpu.vector_store %run_scoped3A_1[%swap3A_327], %swap3A_330 {strides = array<i32>} : memref<10240xf32, #tpu.memory_space<vmem>>, vector<16xf32>,
        %add3A_331 = arith.constant 16 : i32
        %add3A_332 = arith.addi %add3A_298, %add3A_331 : i32
        %get3A_333 = arith.index_cast %add3A_332 : i32 to index
        %get3A_334 = tpu.vector_load %run_scoped3A_0[%get3A_333] {strides = array<i32>} : memref<10240xf32, #tpu.memory_space<vmem>>, vector<16xf32>,
        %get3A_335 = vector.shape_cast %get3A_334 : vector<16xf32> to vector<16xf32>
        %neg3A_336 = arith.constant 0.000000e+00 : f32
        %neg3A_337 = vector.broadcast %neg3A_336 : f32 to vector<16xf32>
        %neg3A_338 = arith.subf %neg3A_337, %get3A_335 : vector<16xf32>
        %exp3A_339 = math.exp %neg3A_338 : vector<16xf32>
        %add3A_340 = arith.constant 1.000000e+00 : f32
        %add3A_341 = vector.broadcast %add3A_340 : f32 to vector<16xf32>
        %add3A_342 = arith.addf %add3A_341, %exp3A_339 : vector<16xf32>
        %div3A_343 = arith.constant 1.000000e+00 : f32
        %div3A_344 = vector.broadcast %div3A_343 : f32 to vector<16xf32>
        %div3A_345 = arith.divf %div3A_344, %add3A_342 : vector<16xf32>
        %swap3A_346 = arith.index_cast %add3A_332 : i32 to index
        %swap3A_347 = tpu.vector_load %run_scoped3A_0[%swap3A_346] {strides = array<i32>} : memref<10240xf32, #tpu.memory_space<vmem>>, vector<16xf32>,
        %swap3A_348 = vector.shape_cast %swap3A_347 : vector<16xf32> to vector<16xf32>
        %swap3A_349 = vector.shape_cast %div3A_345 : vector<16xf32> to vector<16xf32>
        tpu.vector_store %run_scoped3A_0[%swap3A_346], %swap3A_349 {strides = array<i32>} : memref<10240xf32, #tpu.memory_space<vmem>>, vector<16xf32>,
        %add3A_350 = arith.addi %mul3A_12, %add3A_298 : i32
        %add3A_351 = arith.constant 16 : i32
        %add3A_352 = arith.addi %add3A_350, %add3A_351 : i32
        %add3A_353 = vector.broadcast %add3A_352 : i32 to vector<16xi32>
        %add3A_354 = arith.addi %add3A_353, %iota3A : vector<16xi32>
        %lt3A_355 = vector.broadcast %mul3A_121 : i32 to vector<16xi32>
        %lt3A_356 = arith.cmpi slt, %add3A_354, %lt3A_355 : vector<16xi32>
        %select_n3A_357 = arith.select %lt3A_356, %select_n3A_84, %select_n3A_117 : vector<16xi1>, vector<16xf32>
        %mul3A_358 = arith.mulf %div3A_345, %select_n3A_357 : vector<16xf32>
        %swap3A_359 = arith.index_cast %add3A_332 : i32 to index
        %swap3A_360 = tpu.vector_load %run_scoped3A_1[%swap3A_359] {strides = array<i32>} : memref<10240xf32, #tpu.memory_space<vmem>>, vector<16xf32>,
        %swap3A_361 = vector.shape_cast %swap3A_360 : vector<16xf32> to vector<16xf32>
        %swap3A_362 = vector.shape_cast %mul3A_358 : vector<16xf32> to vector<16xf32>
        tpu.vector_store %run_scoped3A_1[%swap3A_359], %swap3A_362 {strides = array<i32>} : memref<10240xf32, #tpu.memory_space<vmem>>, vector<16xf32>,
        %add3A_363 = arith.constant 32 : i32
        %add3A_364 = arith.addi %add3A_298, %add3A_363 : i32
        %get3A_365 = arith.index_cast %add3A_364 : i32 to index
        %get3A_366 = tpu.vector_load %run_scoped3A_0[%get3A_365] {strides = array<i32>} : memref<10240xf32, #tpu.memory_space<vmem>>, vector<16xf32>,
        %get3A_367 = vector.shape_cast %get3A_366 : vector<16xf32> to vector<16xf32>
        %neg3A_368 = arith.constant 0.000000e+00 : f32
        %neg3A_369 = vector.broadcast %neg3A_368 : f32 to vector<16xf32>
        %neg3A_370 = arith.subf %neg3A_369, %get3A_367 : vector<16xf32>
        %exp3A_371 = math.exp %neg3A_370 : vector<16xf32>
        %add3A_372 = arith.constant 1.000000e+00 : f32
        %add3A_373 = vector.broadcast %add3A_372 : f32 to vector<16xf32>
        %add3A_374 = arith.addf %add3A_373, %exp3A_371 : vector<16xf32>
        %div3A_375 = arith.constant 1.000000e+00 : f32
        %div3A_376 = vector.broadcast %div3A_375 : f32 to vector<16xf32>
        %div3A_377 = arith.divf %div3A_376, %add3A_374 : vector<16xf32>
        %swap3A_378 = arith.index_cast %add3A_364 : i32 to index
        %swap3A_379 = tpu.vector_load %run_scoped3A_0[%swap3A_378] {strides = array<i32>} : memref<10240xf32, #tpu.memory_space<vmem>>, vector<16xf32>,
        %swap3A_380 = vector.shape_cast %swap3A_379 : vector<16xf32> to vector<16xf32>
        %swap3A_381 = vector.shape_cast %div3A_377 : vector<16xf32> to vector<16xf32>
        tpu.vector_store %run_scoped3A_0[%swap3A_378], %swap3A_381 {strides = array<i32>} : memref<10240xf32, #tpu.memory_space<vmem>>, vector<16xf32>,
        %add3A_382 = arith.addi %mul3A_12, %add3A_298 : i32
        %add3A_383 = arith.constant 32 : i32
        %add3A_384 = arith.addi %add3A_382, %add3A_383 : i32
        %add3A_385 = vector.broadcast %add3A_384 : i32 to vector<16xi32>
        %add3A_386 = arith.addi %add3A_385, %iota3A : vector<16xi32>
        %lt3A_387 = vector.broadcast %mul3A_121 : i32 to vector<16xi32>
        %lt3A_388 = arith.cmpi slt, %add3A_386, %lt3A_387 : vector<16xi32>
        %select_n3A_389 = arith.select %lt3A_388, %select_n3A_84, %select_n3A_117 : vector<16xi1>, vector<16xf32>
        %mul3A_390 = arith.mulf %div3A_377, %select_n3A_389 : vector<16xf32>
        %swap3A_391 = arith.index_cast %add3A_364 : i32 to index
        %swap3A_392 = tpu.vector_load %run_scoped3A_1[%swap3A_391] {strides = array<i32>} : memref<10240xf32, #tpu.memory_space<vmem>>, vector<16xf32>,
        %swap3A_393 = vector.shape_cast %swap3A_392 : vector<16xf32> to vector<16xf32>
        %swap3A_394 = vector.shape_cast %mul3A_390 : vector<16xf32> to vector<16xf32>
        tpu.vector_store %run_scoped3A_1[%swap3A_391], %swap3A_394 {strides = array<i32>} : memref<10240xf32, #tpu.memory_space<vmem>>, vector<16xf32>,
        %add3A_395 = arith.constant 48 : i32
        %add3A_396 = arith.addi %add3A_298, %add3A_395 : i32
        %get3A_397 = arith.index_cast %add3A_396 : i32 to index
        %get3A_398 = tpu.vector_load %run_scoped3A_0[%get3A_397] {strides = array<i32>} : memref<10240xf32, #tpu.memory_space<vmem>>, vector<16xf32>,
        %get3A_399 = vector.shape_cast %get3A_398 : vector<16xf32> to vector<16xf32>
        %neg3A_400 = arith.constant 0.000000e+00 : f32
        %neg3A_401 = vector.broadcast %neg3A_400 : f32 to vector<16xf32>
        %neg3A_402 = arith.subf %neg3A_401, %get3A_399 : vector<16xf32>
        %exp3A_403 = math.exp %neg3A_402 : vector<16xf32>
        %add3A_404 = arith.constant 1.000000e+00 : f32
        %add3A_405 = vector.broadcast %add3A_404 : f32 to vector<16xf32>
        %add3A_406 = arith.addf %add3A_405, %exp3A_403 : vector<16xf32>
        %div3A_407 = arith.constant 1.000000e+00 : f32
        %div3A_408 = vector.broadcast %div3A_407 : f32 to vector<16xf32>
        %div3A_409 = arith.divf %div3A_408, %add3A_406 : vector<16xf32>
        %swap3A_410 = arith.index_cast %add3A_396 : i32 to index
        %swap3A_411 = tpu.vector_load %run_scoped3A_0[%swap3A_410] {strides = array<i32>} : memref<10240xf32, #tpu.memory_space<vmem>>, vector<16xf32>,
        %swap3A_412 = vector.shape_cast %swap3A_411 : vector<16xf32> to vector<16xf32>
        %swap3A_413 = vector.shape_cast %div3A_409 : vector<16xf32> to vector<16xf32>
        tpu.vector_store %run_scoped3A_0[%swap3A_410], %swap3A_413 {strides = array<i32>} : memref<10240xf32, #tpu.memory_space<vmem>>, vector<16xf32>,
        %add3A_414 = arith.addi %mul3A_12, %add3A_298 : i32
        %add3A_415 = arith.constant 48 : i32
        %add3A_416 = arith.addi %add3A_414, %add3A_415 : i32
        %add3A_417 = vector.broadcast %add3A_416 : i32 to vector<16xi32>
        %add3A_418 = arith.addi %add3A_417, %iota3A : vector<16xi32>
        %lt3A_419 = vector.broadcast %mul3A_121 : i32 to vector<16xi32>
        %lt3A_420 = arith.cmpi slt, %add3A_418, %lt3A_419 : vector<16xi32>
        %select_n3A_421 = arith.select %lt3A_420, %select_n3A_84, %select_n3A_117 : vector<16xi1>, vector<16xf32>
        %mul3A_422 = arith.mulf %div3A_409, %select_n3A_421 : vector<16xf32>
        %swap3A_423 = arith.index_cast %add3A_396 : i32 to index
        %swap3A_424 = tpu.vector_load %run_scoped3A_1[%swap3A_423] {strides = array<i32>} : memref<10240xf32, #tpu.memory_space<vmem>>, vector<16xf32>,
        %swap3A_425 = vector.shape_cast %swap3A_424 : vector<16xf32> to vector<16xf32>
        %swap3A_426 = vector.shape_cast %mul3A_422 : vector<16xf32> to vector<16xf32>
        tpu.vector_store %run_scoped3A_1[%swap3A_423], %swap3A_426 {strides = array<i32>} : memref<10240xf32, #tpu.memory_space<vmem>>, vector<16xf32>,
        %add3A_427 = arith.constant 64 : i32
        %add3A_428 = arith.addi %add3A_298, %add3A_427 : i32
        %get3A_429 = arith.index_cast %add3A_428 : i32 to index
        %get3A_430 = tpu.vector_load %run_scoped3A_0[%get3A_429] {strides = array<i32>} : memref<10240xf32, #tpu.memory_space<vmem>>, vector<16xf32>,
        %get3A_431 = vector.shape_cast %get3A_430 : vector<16xf32> to vector<16xf32>
        %neg3A_432 = arith.constant 0.000000e+00 : f32
        %neg3A_433 = vector.broadcast %neg3A_432 : f32 to vector<16xf32>
        %neg3A_434 = arith.subf %neg3A_433, %get3A_431 : vector<16xf32>
        %exp3A_435 = math.exp %neg3A_434 : vector<16xf32>
        %add3A_436 = arith.constant 1.000000e+00 : f32
        %add3A_437 = vector.broadcast %add3A_436 : f32 to vector<16xf32>
        %add3A_438 = arith.addf %add3A_437, %exp3A_435 : vector<16xf32>
        %div3A_439 = arith.constant 1.000000e+00 : f32
        %div3A_440 = vector.broadcast %div3A_439 : f32 to vector<16xf32>
        %div3A_441 = arith.divf %div3A_440, %add3A_438 : vector<16xf32>
        %swap3A_442 = arith.index_cast %add3A_428 : i32 to index
        %swap3A_443 = tpu.vector_load %run_scoped3A_0[%swap3A_442] {strides = array<i32>} : memref<10240xf32, #tpu.memory_space<vmem>>, vector<16xf32>,
        %swap3A_444 = vector.shape_cast %swap3A_443 : vector<16xf32> to vector<16xf32>
        %swap3A_445 = vector.shape_cast %div3A_441 : vector<16xf32> to vector<16xf32>
        tpu.vector_store %run_scoped3A_0[%swap3A_442], %swap3A_445 {strides = array<i32>} : memref<10240xf32, #tpu.memory_space<vmem>>, vector<16xf32>,
        %add3A_446 = arith.addi %mul3A_12, %add3A_298 : i32
        %add3A_447 = arith.constant 64 : i32
        %add3A_448 = arith.addi %add3A_446, %add3A_447 : i32
        %add3A_449 = vector.broadcast %add3A_448 : i32 to vector<16xi32>
        %add3A_450 = arith.addi %add3A_449, %iota3A : vector<16xi32>
        %lt3A_451 = vector.broadcast %mul3A_121 : i32 to vector<16xi32>
        %lt3A_452 = arith.cmpi slt, %add3A_450, %lt3A_451 : vector<16xi32>
        %select_n3A_453 = arith.select %lt3A_452, %select_n3A_84, %select_n3A_117 : vector<16xi1>, vector<16xf32>
        %mul3A_454 = arith.mulf %div3A_441, %select_n3A_453 : vector<16xf32>
        %swap3A_455 = arith.index_cast %add3A_428 : i32 to index
        %swap3A_456 = tpu.vector_load %run_scoped3A_1[%swap3A_455] {strides = array<i32>} : memref<10240xf32, #tpu.memory_space<vmem>>, vector<16xf32>,
        %swap3A_457 = vector.shape_cast %swap3A_456 : vector<16xf32> to vector<16xf32>
        %swap3A_458 = vector.shape_cast %mul3A_454 : vector<16xf32> to vector<16xf32>
        tpu.vector_store %run_scoped3A_1[%swap3A_455], %swap3A_458 {strides = array<i32>} : memref<10240xf32, #tpu.memory_space<vmem>>, vector<16xf32>,
      }
      %scan3A_154 = arith.constant 32 : i32
      %add3A_155 = arith.constant 0 : i32
      %add3A_156 = arith.addi %mul3A_12, %add3A_155 : i32
      %dma_start3A_157 = arith.constant 0 : i32
      %dma_start3A_158 = tpu.memref_slice %run_scoped3A_0[%dma_start3A_157] : memref<10240xf32, #tpu.memory_space<vmem>> -> memref<2560xf32, #tpu.memory_space<vmem>>
      %dma_start3A_159 = tpu.memref_slice %arg7[%add3A_156] : memref<327680xf32, #tpu.memory_space<hbm>> -> memref<2560xf32, #tpu.memory_space<hbm>>
      %dma_start3A_160 = tpu.memref_slice %arg7[%add3A_156] : memref<327680xf32, #tpu.memory_space<hbm>> -> memref<2560xf32, #tpu.memory_space<hbm>>
      %dma_start3A_161 = arith.constant 0 : i32
      %dma_start3A_162 = tpu.memref_slice %run_scoped3A_0[%dma_start3A_161] : memref<10240xf32, #tpu.memory_space<vmem>> -> memref<2560xf32, #tpu.memory_space<vmem>>
      tpu.enqueue_dma source(%dma_start3A_162 : memref<2560xf32, #tpu.memory_space<vmem>>) target(%dma_start3A_160 : memref<2560xf32, #tpu.memory_space<hbm>>) target_semaphore(%run_scoped3A_8 : memref<!tpu.dma_semaphore, #tpu.memory_space<semaphore_mem>>)
      %dma_start3A_163 = arith.constant 0 : i32
      %dma_start3A_164 = tpu.memref_slice %run_scoped3A_1[%dma_start3A_163] : memref<10240xf32, #tpu.memory_space<vmem>> -> memref<2560xf32, #tpu.memory_space<vmem>>
      %dma_start3A_165 = tpu.memref_slice %arg5[%add3A_156] : memref<327680xf32, #tpu.memory_space<hbm>> -> memref<2560xf32, #tpu.memory_space<hbm>>
      %dma_start3A_166 = tpu.memref_slice %arg5[%add3A_156] : memref<327680xf32, #tpu.memory_space<hbm>> -> memref<2560xf32, #tpu.memory_space<hbm>>
      %dma_start3A_167 = arith.constant 0 : i32
      %dma_start3A_168 = tpu.memref_slice %run_scoped3A_1[%dma_start3A_167] : memref<10240xf32, #tpu.memory_space<vmem>> -> memref<2560xf32, #tpu.memory_space<vmem>>
      tpu.enqueue_dma source(%dma_start3A_168 : memref<2560xf32, #tpu.memory_space<vmem>>) target(%dma_start3A_166 : memref<2560xf32, #tpu.memory_space<hbm>>) target_semaphore(%run_scoped3A_9 : memref<!tpu.dma_semaphore, #tpu.memory_space<semaphore_mem>>)
      %dma_wait3A_169 = arith.constant 2560 : i32
      %dma_wait3A_170 = tpu.memref_slice %run_scoped3A_0[%dma_wait3A_169] : memref<10240xf32, #tpu.memory_space<vmem>> -> memref<2560xf32, #tpu.memory_space<vmem>>
      %dma_wait3A_171 = arith.constant 2560 : i32
      %dma_wait3A_172 = tpu.memref_slice %run_scoped3A[%dma_wait3A_171] : memref<10240xi32, #tpu.memory_space<vmem>> -> memref<2560xi32, #tpu.memory_space<vmem>>
      %dma_wait3A_173 = arith.constant 0 : i32
      %dma_wait3A_174 = tpu.memref_slice %arg8[%dma_wait3A_173] : memref<1000064xf32, #tpu.memory_space<vmem_shared>> -> memref<1000064xf32, #tpu.memory_space<vmem_shared>>
      tpu.wait_indirect_dma semaphore(%run_scoped3A_5 : memref<!tpu.dma_semaphore, #tpu.memory_space<semaphore_mem>>) src(%dma_wait3A_174 : memref<1000064xf32, #tpu.memory_space<vmem_shared>>) dst(%dma_wait3A_170 : memref<2560xf32, #tpu.memory_space<vmem>>)
      %scan3A_175 = arith.constant 0 : i32
      %scan3A_176 = arith.constant 32 : i32
      %scan3A_177 = arith.addi %scan3A_175, %scan3A_176 : i32
      %scan3A_178 = arith.constant 1 : i32
      scf.for %scan3A_294 = %scan3A_175 to %scan3A_177 step %scan3A_178  : i32 {
        %mul3A_295 = arith.constant 80 : i32
        %mul3A_296 = arith.muli %scan3A_294, %mul3A_295 : i32
        %add3A_297 = arith.constant 2560 : i32
        %add3A_298 = arith.addi %add3A_297, %mul3A_296 : i32
        %add3A_299 = arith.constant 0 : i32
        %add3A_300 = arith.addi %add3A_298, %add3A_299 : i32
        %get3A_301 = arith.index_cast %add3A_300 : i32 to index
        %get3A_302 = tpu.vector_load %run_scoped3A_0[%get3A_301] {strides = array<i32>} : memref<10240xf32, #tpu.memory_space<vmem>>, vector<16xf32>,
        %get3A_303 = vector.shape_cast %get3A_302 : vector<16xf32> to vector<16xf32>
        %neg3A_304 = arith.constant 0.000000e+00 : f32
        %neg3A_305 = vector.broadcast %neg3A_304 : f32 to vector<16xf32>
        %neg3A_306 = arith.subf %neg3A_305, %get3A_303 : vector<16xf32>
        %exp3A_307 = math.exp %neg3A_306 : vector<16xf32>
        %add3A_308 = arith.constant 1.000000e+00 : f32
        %add3A_309 = vector.broadcast %add3A_308 : f32 to vector<16xf32>
        %add3A_310 = arith.addf %add3A_309, %exp3A_307 : vector<16xf32>
        %div3A_311 = arith.constant 1.000000e+00 : f32
        %div3A_312 = vector.broadcast %div3A_311 : f32 to vector<16xf32>
        %div3A_313 = arith.divf %div3A_312, %add3A_310 : vector<16xf32>
        %swap3A_314 = arith.index_cast %add3A_300 : i32 to index
        %swap3A_315 = tpu.vector_load %run_scoped3A_0[%swap3A_314] {strides = array<i32>} : memref<10240xf32, #tpu.memory_space<vmem>>, vector<16xf32>,
        %swap3A_316 = vector.shape_cast %swap3A_315 : vector<16xf32> to vector<16xf32>
        %swap3A_317 = vector.shape_cast %div3A_313 : vector<16xf32> to vector<16xf32>
        tpu.vector_store %run_scoped3A_0[%swap3A_314], %swap3A_317 {strides = array<i32>} : memref<10240xf32, #tpu.memory_space<vmem>>, vector<16xf32>,
        %add3A_318 = arith.addi %mul3A_12, %add3A_298 : i32
        %add3A_319 = arith.constant 0 : i32
        %add3A_320 = arith.addi %add3A_318, %add3A_319 : i32
        %add3A_321 = vector.broadcast %add3A_320 : i32 to vector<16xi32>
        %add3A_322 = arith.addi %add3A_321, %iota3A : vector<16xi32>
        %lt3A_323 = vector.broadcast %mul3A_121 : i32 to vector<16xi32>
        %lt3A_324 = arith.cmpi slt, %add3A_322, %lt3A_323 : vector<16xi32>
        %select_n3A_325 = arith.select %lt3A_324, %select_n3A_84, %select_n3A_117 : vector<16xi1>, vector<16xf32>
        %mul3A_326 = arith.mulf %div3A_313, %select_n3A_325 : vector<16xf32>
        %swap3A_327 = arith.index_cast %add3A_300 : i32 to index
        %swap3A_328 = tpu.vector_load %run_scoped3A_1[%swap3A_327] {strides = array<i32>} : memref<10240xf32, #tpu.memory_space<vmem>>, vector<16xf32>,
        %swap3A_329 = vector.shape_cast %swap3A_328 : vector<16xf32> to vector<16xf32>
        %swap3A_330 = vector.shape_cast %mul3A_326 : vector<16xf32> to vector<16xf32>
        tpu.vector_store %run_scoped3A_1[%swap3A_327], %swap3A_330 {strides = array<i32>} : memref<10240xf32, #tpu.memory_space<vmem>>, vector<16xf32>,
        %add3A_331 = arith.constant 16 : i32
        %add3A_332 = arith.addi %add3A_298, %add3A_331 : i32
        %get3A_333 = arith.index_cast %add3A_332 : i32 to index
        %get3A_334 = tpu.vector_load %run_scoped3A_0[%get3A_333] {strides = array<i32>} : memref<10240xf32, #tpu.memory_space<vmem>>, vector<16xf32>,
        %get3A_335 = vector.shape_cast %get3A_334 : vector<16xf32> to vector<16xf32>
        %neg3A_336 = arith.constant 0.000000e+00 : f32
        %neg3A_337 = vector.broadcast %neg3A_336 : f32 to vector<16xf32>
        %neg3A_338 = arith.subf %neg3A_337, %get3A_335 : vector<16xf32>
        %exp3A_339 = math.exp %neg3A_338 : vector<16xf32>
        %add3A_340 = arith.constant 1.000000e+00 : f32
        %add3A_341 = vector.broadcast %add3A_340 : f32 to vector<16xf32>
        %add3A_342 = arith.addf %add3A_341, %exp3A_339 : vector<16xf32>
        %div3A_343 = arith.constant 1.000000e+00 : f32
        %div3A_344 = vector.broadcast %div3A_343 : f32 to vector<16xf32>
        %div3A_345 = arith.divf %div3A_344, %add3A_342 : vector<16xf32>
        %swap3A_346 = arith.index_cast %add3A_332 : i32 to index
        %swap3A_347 = tpu.vector_load %run_scoped3A_0[%swap3A_346] {strides = array<i32>} : memref<10240xf32, #tpu.memory_space<vmem>>, vector<16xf32>,
        %swap3A_348 = vector.shape_cast %swap3A_347 : vector<16xf32> to vector<16xf32>
        %swap3A_349 = vector.shape_cast %div3A_345 : vector<16xf32> to vector<16xf32>
        tpu.vector_store %run_scoped3A_0[%swap3A_346], %swap3A_349 {strides = array<i32>} : memref<10240xf32, #tpu.memory_space<vmem>>, vector<16xf32>,
        %add3A_350 = arith.addi %mul3A_12, %add3A_298 : i32
        %add3A_351 = arith.constant 16 : i32
        %add3A_352 = arith.addi %add3A_350, %add3A_351 : i32
        %add3A_353 = vector.broadcast %add3A_352 : i32 to vector<16xi32>
        %add3A_354 = arith.addi %add3A_353, %iota3A : vector<16xi32>
        %lt3A_355 = vector.broadcast %mul3A_121 : i32 to vector<16xi32>
        %lt3A_356 = arith.cmpi slt, %add3A_354, %lt3A_355 : vector<16xi32>
        %select_n3A_357 = arith.select %lt3A_356, %select_n3A_84, %select_n3A_117 : vector<16xi1>, vector<16xf32>
        %mul3A_358 = arith.mulf %div3A_345, %select_n3A_357 : vector<16xf32>
        %swap3A_359 = arith.index_cast %add3A_332 : i32 to index
        %swap3A_360 = tpu.vector_load %run_scoped3A_1[%swap3A_359] {strides = array<i32>} : memref<10240xf32, #tpu.memory_space<vmem>>, vector<16xf32>,
        %swap3A_361 = vector.shape_cast %swap3A_360 : vector<16xf32> to vector<16xf32>
        %swap3A_362 = vector.shape_cast %mul3A_358 : vector<16xf32> to vector<16xf32>
        tpu.vector_store %run_scoped3A_1[%swap3A_359], %swap3A_362 {strides = array<i32>} : memref<10240xf32, #tpu.memory_space<vmem>>, vector<16xf32>,
        %add3A_363 = arith.constant 32 : i32
        %add3A_364 = arith.addi %add3A_298, %add3A_363 : i32
        %get3A_365 = arith.index_cast %add3A_364 : i32 to index
        %get3A_366 = tpu.vector_load %run_scoped3A_0[%get3A_365] {strides = array<i32>} : memref<10240xf32, #tpu.memory_space<vmem>>, vector<16xf32>,
        %get3A_367 = vector.shape_cast %get3A_366 : vector<16xf32> to vector<16xf32>
        %neg3A_368 = arith.constant 0.000000e+00 : f32
        %neg3A_369 = vector.broadcast %neg3A_368 : f32 to vector<16xf32>
        %neg3A_370 = arith.subf %neg3A_369, %get3A_367 : vector<16xf32>
        %exp3A_371 = math.exp %neg3A_370 : vector<16xf32>
        %add3A_372 = arith.constant 1.000000e+00 : f32
        %add3A_373 = vector.broadcast %add3A_372 : f32 to vector<16xf32>
        %add3A_374 = arith.addf %add3A_373, %exp3A_371 : vector<16xf32>
        %div3A_375 = arith.constant 1.000000e+00 : f32
        %div3A_376 = vector.broadcast %div3A_375 : f32 to vector<16xf32>
        %div3A_377 = arith.divf %div3A_376, %add3A_374 : vector<16xf32>
        %swap3A_378 = arith.index_cast %add3A_364 : i32 to index
        %swap3A_379 = tpu.vector_load %run_scoped3A_0[%swap3A_378] {strides = array<i32>} : memref<10240xf32, #tpu.memory_space<vmem>>, vector<16xf32>,
        %swap3A_380 = vector.shape_cast %swap3A_379 : vector<16xf32> to vector<16xf32>
        %swap3A_381 = vector.shape_cast %div3A_377 : vector<16xf32> to vector<16xf32>
        tpu.vector_store %run_scoped3A_0[%swap3A_378], %swap3A_381 {strides = array<i32>} : memref<10240xf32, #tpu.memory_space<vmem>>, vector<16xf32>,
        %add3A_382 = arith.addi %mul3A_12, %add3A_298 : i32
        %add3A_383 = arith.constant 32 : i32
        %add3A_384 = arith.addi %add3A_382, %add3A_383 : i32
        %add3A_385 = vector.broadcast %add3A_384 : i32 to vector<16xi32>
        %add3A_386 = arith.addi %add3A_385, %iota3A : vector<16xi32>
        %lt3A_387 = vector.broadcast %mul3A_121 : i32 to vector<16xi32>
        %lt3A_388 = arith.cmpi slt, %add3A_386, %lt3A_387 : vector<16xi32>
        %select_n3A_389 = arith.select %lt3A_388, %select_n3A_84, %select_n3A_117 : vector<16xi1>, vector<16xf32>
        %mul3A_390 = arith.mulf %div3A_377, %select_n3A_389 : vector<16xf32>
        %swap3A_391 = arith.index_cast %add3A_364 : i32 to index
        %swap3A_392 = tpu.vector_load %run_scoped3A_1[%swap3A_391] {strides = array<i32>} : memref<10240xf32, #tpu.memory_space<vmem>>, vector<16xf32>,
        %swap3A_393 = vector.shape_cast %swap3A_392 : vector<16xf32> to vector<16xf32>
        %swap3A_394 = vector.shape_cast %mul3A_390 : vector<16xf32> to vector<16xf32>
        tpu.vector_store %run_scoped3A_1[%swap3A_391], %swap3A_394 {strides = array<i32>} : memref<10240xf32, #tpu.memory_space<vmem>>, vector<16xf32>,
        %add3A_395 = arith.constant 48 : i32
        %add3A_396 = arith.addi %add3A_298, %add3A_395 : i32
        %get3A_397 = arith.index_cast %add3A_396 : i32 to index
        %get3A_398 = tpu.vector_load %run_scoped3A_0[%get3A_397] {strides = array<i32>} : memref<10240xf32, #tpu.memory_space<vmem>>, vector<16xf32>,
        %get3A_399 = vector.shape_cast %get3A_398 : vector<16xf32> to vector<16xf32>
        %neg3A_400 = arith.constant 0.000000e+00 : f32
        %neg3A_401 = vector.broadcast %neg3A_400 : f32 to vector<16xf32>
        %neg3A_402 = arith.subf %neg3A_401, %get3A_399 : vector<16xf32>
        %exp3A_403 = math.exp %neg3A_402 : vector<16xf32>
        %add3A_404 = arith.constant 1.000000e+00 : f32
        %add3A_405 = vector.broadcast %add3A_404 : f32 to vector<16xf32>
        %add3A_406 = arith.addf %add3A_405, %exp3A_403 : vector<16xf32>
        %div3A_407 = arith.constant 1.000000e+00 : f32
        %div3A_408 = vector.broadcast %div3A_407 : f32 to vector<16xf32>
        %div3A_409 = arith.divf %div3A_408, %add3A_406 : vector<16xf32>
        %swap3A_410 = arith.index_cast %add3A_396 : i32 to index
        %swap3A_411 = tpu.vector_load %run_scoped3A_0[%swap3A_410] {strides = array<i32>} : memref<10240xf32, #tpu.memory_space<vmem>>, vector<16xf32>,
        %swap3A_412 = vector.shape_cast %swap3A_411 : vector<16xf32> to vector<16xf32>
        %swap3A_413 = vector.shape_cast %div3A_409 : vector<16xf32> to vector<16xf32>
        tpu.vector_store %run_scoped3A_0[%swap3A_410], %swap3A_413 {strides = array<i32>} : memref<10240xf32, #tpu.memory_space<vmem>>, vector<16xf32>,
        %add3A_414 = arith.addi %mul3A_12, %add3A_298 : i32
        %add3A_415 = arith.constant 48 : i32
        %add3A_416 = arith.addi %add3A_414, %add3A_415 : i32
        %add3A_417 = vector.broadcast %add3A_416 : i32 to vector<16xi32>
        %add3A_418 = arith.addi %add3A_417, %iota3A : vector<16xi32>
        %lt3A_419 = vector.broadcast %mul3A_121 : i32 to vector<16xi32>
        %lt3A_420 = arith.cmpi slt, %add3A_418, %lt3A_419 : vector<16xi32>
        %select_n3A_421 = arith.select %lt3A_420, %select_n3A_84, %select_n3A_117 : vector<16xi1>, vector<16xf32>
        %mul3A_422 = arith.mulf %div3A_409, %select_n3A_421 : vector<16xf32>
        %swap3A_423 = arith.index_cast %add3A_396 : i32 to index
        %swap3A_424 = tpu.vector_load %run_scoped3A_1[%swap3A_423] {strides = array<i32>} : memref<10240xf32, #tpu.memory_space<vmem>>, vector<16xf32>,
        %swap3A_425 = vector.shape_cast %swap3A_424 : vector<16xf32> to vector<16xf32>
        %swap3A_426 = vector.shape_cast %mul3A_422 : vector<16xf32> to vector<16xf32>
        tpu.vector_store %run_scoped3A_1[%swap3A_423], %swap3A_426 {strides = array<i32>} : memref<10240xf32, #tpu.memory_space<vmem>>, vector<16xf32>,
        %add3A_427 = arith.constant 64 : i32
        %add3A_428 = arith.addi %add3A_298, %add3A_427 : i32
        %get3A_429 = arith.index_cast %add3A_428 : i32 to index
        %get3A_430 = tpu.vector_load %run_scoped3A_0[%get3A_429] {strides = array<i32>} : memref<10240xf32, #tpu.memory_space<vmem>>, vector<16xf32>,
        %get3A_431 = vector.shape_cast %get3A_430 : vector<16xf32> to vector<16xf32>
        %neg3A_432 = arith.constant 0.000000e+00 : f32
        %neg3A_433 = vector.broadcast %neg3A_432 : f32 to vector<16xf32>
        %neg3A_434 = arith.subf %neg3A_433, %get3A_431 : vector<16xf32>
        %exp3A_435 = math.exp %neg3A_434 : vector<16xf32>
        %add3A_436 = arith.constant 1.000000e+00 : f32
        %add3A_437 = vector.broadcast %add3A_436 : f32 to vector<16xf32>
        %add3A_438 = arith.addf %add3A_437, %exp3A_435 : vector<16xf32>
        %div3A_439 = arith.constant 1.000000e+00 : f32
        %div3A_440 = vector.broadcast %div3A_439 : f32 to vector<16xf32>
        %div3A_441 = arith.divf %div3A_440, %add3A_438 : vector<16xf32>
        %swap3A_442 = arith.index_cast %add3A_428 : i32 to index
        %swap3A_443 = tpu.vector_load %run_scoped3A_0[%swap3A_442] {strides = array<i32>} : memref<10240xf32, #tpu.memory_space<vmem>>, vector<16xf32>,
        %swap3A_444 = vector.shape_cast %swap3A_443 : vector<16xf32> to vector<16xf32>
        %swap3A_445 = vector.shape_cast %div3A_441 : vector<16xf32> to vector<16xf32>
        tpu.vector_store %run_scoped3A_0[%swap3A_442], %swap3A_445 {strides = array<i32>} : memref<10240xf32, #tpu.memory_space<vmem>>, vector<16xf32>,
        %add3A_446 = arith.addi %mul3A_12, %add3A_298 : i32
        %add3A_447 = arith.constant 64 : i32
        %add3A_448 = arith.addi %add3A_446, %add3A_447 : i32
        %add3A_449 = vector.broadcast %add3A_448 : i32 to vector<16xi32>
        %add3A_450 = arith.addi %add3A_449, %iota3A : vector<16xi32>
        %lt3A_451 = vector.broadcast %mul3A_121 : i32 to vector<16xi32>
        %lt3A_452 = arith.cmpi slt, %add3A_450, %lt3A_451 : vector<16xi32>
        %select_n3A_453 = arith.select %lt3A_452, %select_n3A_84, %select_n3A_117 : vector<16xi1>, vector<16xf32>
        %mul3A_454 = arith.mulf %div3A_441, %select_n3A_453 : vector<16xf32>
        %swap3A_455 = arith.index_cast %add3A_428 : i32 to index
        %swap3A_456 = tpu.vector_load %run_scoped3A_1[%swap3A_455] {strides = array<i32>} : memref<10240xf32, #tpu.memory_space<vmem>>, vector<16xf32>,
        %swap3A_457 = vector.shape_cast %swap3A_456 : vector<16xf32> to vector<16xf32>
        %swap3A_458 = vector.shape_cast %mul3A_454 : vector<16xf32> to vector<16xf32>
        tpu.vector_store %run_scoped3A_1[%swap3A_455], %swap3A_458 {strides = array<i32>} : memref<10240xf32, #tpu.memory_space<vmem>>, vector<16xf32>,
      }
      %scan3A_179 = arith.constant 32 : i32
      %add3A_180 = arith.constant 2560 : i32
      %add3A_181 = arith.addi %mul3A_12, %add3A_180 : i32
      %dma_start3A_182 = arith.constant 2560 : i32
      %dma_start3A_183 = tpu.memref_slice %run_scoped3A_0[%dma_start3A_182] : memref<10240xf32, #tpu.memory_space<vmem>> -> memref<2560xf32, #tpu.memory_space<vmem>>
      %dma_start3A_184 = tpu.memref_slice %arg7[%add3A_181] : memref<327680xf32, #tpu.memory_space<hbm>> -> memref<2560xf32, #tpu.memory_space<hbm>>
      %dma_start3A_185 = tpu.memref_slice %arg7[%add3A_181] : memref<327680xf32, #tpu.memory_space<hbm>> -> memref<2560xf32, #tpu.memory_space<hbm>>
      %dma_start3A_186 = arith.constant 2560 : i32
      %dma_start3A_187 = tpu.memref_slice %run_scoped3A_0[%dma_start3A_186] : memref<10240xf32, #tpu.memory_space<vmem>> -> memref<2560xf32, #tpu.memory_space<vmem>>
      tpu.enqueue_dma source(%dma_start3A_187 : memref<2560xf32, #tpu.memory_space<vmem>>) target(%dma_start3A_185 : memref<2560xf32, #tpu.memory_space<hbm>>) target_semaphore(%run_scoped3A_8 : memref<!tpu.dma_semaphore, #tpu.memory_space<semaphore_mem>>)
      %dma_start3A_188 = arith.constant 2560 : i32
      %dma_start3A_189 = tpu.memref_slice %run_scoped3A_1[%dma_start3A_188] : memref<10240xf32, #tpu.memory_space<vmem>> -> memref<2560xf32, #tpu.memory_space<vmem>>
      %dma_start3A_190 = tpu.memref_slice %arg5[%add3A_181] : memref<327680xf32, #tpu.memory_space<hbm>> -> memref<2560xf32, #tpu.memory_space<hbm>>
      %dma_start3A_191 = tpu.memref_slice %arg5[%add3A_181] : memref<327680xf32, #tpu.memory_space<hbm>> -> memref<2560xf32, #tpu.memory_space<hbm>>
      %dma_start3A_192 = arith.constant 2560 : i32
      %dma_start3A_193 = tpu.memref_slice %run_scoped3A_1[%dma_start3A_192] : memref<10240xf32, #tpu.memory_space<vmem>> -> memref<2560xf32, #tpu.memory_space<vmem>>
      tpu.enqueue_dma source(%dma_start3A_193 : memref<2560xf32, #tpu.memory_space<vmem>>) target(%dma_start3A_191 : memref<2560xf32, #tpu.memory_space<hbm>>) target_semaphore(%run_scoped3A_9 : memref<!tpu.dma_semaphore, #tpu.memory_space<semaphore_mem>>)
      %dma_wait3A_194 = arith.constant 5120 : i32
      %dma_wait3A_195 = tpu.memref_slice %run_scoped3A_0[%dma_wait3A_194] : memref<10240xf32, #tpu.memory_space<vmem>> -> memref<2560xf32, #tpu.memory_space<vmem>>
      %dma_wait3A_196 = arith.constant 5120 : i32
      %dma_wait3A_197 = tpu.memref_slice %run_scoped3A[%dma_wait3A_196] : memref<10240xi32, #tpu.memory_space<vmem>> -> memref<2560xi32, #tpu.memory_space<vmem>>
      %dma_wait3A_198 = arith.constant 0 : i32
      %dma_wait3A_199 = tpu.memref_slice %arg8[%dma_wait3A_198] : memref<1000064xf32, #tpu.memory_space<vmem_shared>> -> memref<1000064xf32, #tpu.memory_space<vmem_shared>>
      tpu.wait_indirect_dma semaphore(%run_scoped3A_6 : memref<!tpu.dma_semaphore, #tpu.memory_space<semaphore_mem>>) src(%dma_wait3A_199 : memref<1000064xf32, #tpu.memory_space<vmem_shared>>) dst(%dma_wait3A_195 : memref<2560xf32, #tpu.memory_space<vmem>>)
      %scan3A_200 = arith.constant 0 : i32
      %scan3A_201 = arith.constant 32 : i32
      %scan3A_202 = arith.addi %scan3A_200, %scan3A_201 : i32
      %scan3A_203 = arith.constant 1 : i32
      scf.for %scan3A_294 = %scan3A_200 to %scan3A_202 step %scan3A_203  : i32 {
        %mul3A_295 = arith.constant 80 : i32
        %mul3A_296 = arith.muli %scan3A_294, %mul3A_295 : i32
        %add3A_297 = arith.constant 5120 : i32
        %add3A_298 = arith.addi %add3A_297, %mul3A_296 : i32
        %add3A_299 = arith.constant 0 : i32
        %add3A_300 = arith.addi %add3A_298, %add3A_299 : i32
        %get3A_301 = arith.index_cast %add3A_300 : i32 to index
        %get3A_302 = tpu.vector_load %run_scoped3A_0[%get3A_301] {strides = array<i32>} : memref<10240xf32, #tpu.memory_space<vmem>>, vector<16xf32>,
        %get3A_303 = vector.shape_cast %get3A_302 : vector<16xf32> to vector<16xf32>
        %neg3A_304 = arith.constant 0.000000e+00 : f32
        %neg3A_305 = vector.broadcast %neg3A_304 : f32 to vector<16xf32>
        %neg3A_306 = arith.subf %neg3A_305, %get3A_303 : vector<16xf32>
        %exp3A_307 = math.exp %neg3A_306 : vector<16xf32>
        %add3A_308 = arith.constant 1.000000e+00 : f32
        %add3A_309 = vector.broadcast %add3A_308 : f32 to vector<16xf32>
        %add3A_310 = arith.addf %add3A_309, %exp3A_307 : vector<16xf32>
        %div3A_311 = arith.constant 1.000000e+00 : f32
        %div3A_312 = vector.broadcast %div3A_311 : f32 to vector<16xf32>
        %div3A_313 = arith.divf %div3A_312, %add3A_310 : vector<16xf32>
        %swap3A_314 = arith.index_cast %add3A_300 : i32 to index
        %swap3A_315 = tpu.vector_load %run_scoped3A_0[%swap3A_314] {strides = array<i32>} : memref<10240xf32, #tpu.memory_space<vmem>>, vector<16xf32>,
        %swap3A_316 = vector.shape_cast %swap3A_315 : vector<16xf32> to vector<16xf32>
        %swap3A_317 = vector.shape_cast %div3A_313 : vector<16xf32> to vector<16xf32>
        tpu.vector_store %run_scoped3A_0[%swap3A_314], %swap3A_317 {strides = array<i32>} : memref<10240xf32, #tpu.memory_space<vmem>>, vector<16xf32>,
        %add3A_318 = arith.addi %mul3A_12, %add3A_298 : i32
        %add3A_319 = arith.constant 0 : i32
        %add3A_320 = arith.addi %add3A_318, %add3A_319 : i32
        %add3A_321 = vector.broadcast %add3A_320 : i32 to vector<16xi32>
        %add3A_322 = arith.addi %add3A_321, %iota3A : vector<16xi32>
        %lt3A_323 = vector.broadcast %mul3A_121 : i32 to vector<16xi32>
        %lt3A_324 = arith.cmpi slt, %add3A_322, %lt3A_323 : vector<16xi32>
        %select_n3A_325 = arith.select %lt3A_324, %select_n3A_84, %select_n3A_117 : vector<16xi1>, vector<16xf32>
        %mul3A_326 = arith.mulf %div3A_313, %select_n3A_325 : vector<16xf32>
        %swap3A_327 = arith.index_cast %add3A_300 : i32 to index
        %swap3A_328 = tpu.vector_load %run_scoped3A_1[%swap3A_327] {strides = array<i32>} : memref<10240xf32, #tpu.memory_space<vmem>>, vector<16xf32>,
        %swap3A_329 = vector.shape_cast %swap3A_328 : vector<16xf32> to vector<16xf32>
        %swap3A_330 = vector.shape_cast %mul3A_326 : vector<16xf32> to vector<16xf32>
        tpu.vector_store %run_scoped3A_1[%swap3A_327], %swap3A_330 {strides = array<i32>} : memref<10240xf32, #tpu.memory_space<vmem>>, vector<16xf32>,
        %add3A_331 = arith.constant 16 : i32
        %add3A_332 = arith.addi %add3A_298, %add3A_331 : i32
        %get3A_333 = arith.index_cast %add3A_332 : i32 to index
        %get3A_334 = tpu.vector_load %run_scoped3A_0[%get3A_333] {strides = array<i32>} : memref<10240xf32, #tpu.memory_space<vmem>>, vector<16xf32>,
        %get3A_335 = vector.shape_cast %get3A_334 : vector<16xf32> to vector<16xf32>
        %neg3A_336 = arith.constant 0.000000e+00 : f32
        %neg3A_337 = vector.broadcast %neg3A_336 : f32 to vector<16xf32>
        %neg3A_338 = arith.subf %neg3A_337, %get3A_335 : vector<16xf32>
        %exp3A_339 = math.exp %neg3A_338 : vector<16xf32>
        %add3A_340 = arith.constant 1.000000e+00 : f32
        %add3A_341 = vector.broadcast %add3A_340 : f32 to vector<16xf32>
        %add3A_342 = arith.addf %add3A_341, %exp3A_339 : vector<16xf32>
        %div3A_343 = arith.constant 1.000000e+00 : f32
        %div3A_344 = vector.broadcast %div3A_343 : f32 to vector<16xf32>
        %div3A_345 = arith.divf %div3A_344, %add3A_342 : vector<16xf32>
        %swap3A_346 = arith.index_cast %add3A_332 : i32 to index
        %swap3A_347 = tpu.vector_load %run_scoped3A_0[%swap3A_346] {strides = array<i32>} : memref<10240xf32, #tpu.memory_space<vmem>>, vector<16xf32>,
        %swap3A_348 = vector.shape_cast %swap3A_347 : vector<16xf32> to vector<16xf32>
        %swap3A_349 = vector.shape_cast %div3A_345 : vector<16xf32> to vector<16xf32>
        tpu.vector_store %run_scoped3A_0[%swap3A_346], %swap3A_349 {strides = array<i32>} : memref<10240xf32, #tpu.memory_space<vmem>>, vector<16xf32>,
        %add3A_350 = arith.addi %mul3A_12, %add3A_298 : i32
        %add3A_351 = arith.constant 16 : i32
        %add3A_352 = arith.addi %add3A_350, %add3A_351 : i32
        %add3A_353 = vector.broadcast %add3A_352 : i32 to vector<16xi32>
        %add3A_354 = arith.addi %add3A_353, %iota3A : vector<16xi32>
        %lt3A_355 = vector.broadcast %mul3A_121 : i32 to vector<16xi32>
        %lt3A_356 = arith.cmpi slt, %add3A_354, %lt3A_355 : vector<16xi32>
        %select_n3A_357 = arith.select %lt3A_356, %select_n3A_84, %select_n3A_117 : vector<16xi1>, vector<16xf32>
        %mul3A_358 = arith.mulf %div3A_345, %select_n3A_357 : vector<16xf32>
        %swap3A_359 = arith.index_cast %add3A_332 : i32 to index
        %swap3A_360 = tpu.vector_load %run_scoped3A_1[%swap3A_359] {strides = array<i32>} : memref<10240xf32, #tpu.memory_space<vmem>>, vector<16xf32>,
        %swap3A_361 = vector.shape_cast %swap3A_360 : vector<16xf32> to vector<16xf32>
        %swap3A_362 = vector.shape_cast %mul3A_358 : vector<16xf32> to vector<16xf32>
        tpu.vector_store %run_scoped3A_1[%swap3A_359], %swap3A_362 {strides = array<i32>} : memref<10240xf32, #tpu.memory_space<vmem>>, vector<16xf32>,
        %add3A_363 = arith.constant 32 : i32
        %add3A_364 = arith.addi %add3A_298, %add3A_363 : i32
        %get3A_365 = arith.index_cast %add3A_364 : i32 to index
        %get3A_366 = tpu.vector_load %run_scoped3A_0[%get3A_365] {strides = array<i32>} : memref<10240xf32, #tpu.memory_space<vmem>>, vector<16xf32>,
        %get3A_367 = vector.shape_cast %get3A_366 : vector<16xf32> to vector<16xf32>
        %neg3A_368 = arith.constant 0.000000e+00 : f32
        %neg3A_369 = vector.broadcast %neg3A_368 : f32 to vector<16xf32>
        %neg3A_370 = arith.subf %neg3A_369, %get3A_367 : vector<16xf32>
        %exp3A_371 = math.exp %neg3A_370 : vector<16xf32>
        %add3A_372 = arith.constant 1.000000e+00 : f32
        %add3A_373 = vector.broadcast %add3A_372 : f32 to vector<16xf32>
        %add3A_374 = arith.addf %add3A_373, %exp3A_371 : vector<16xf32>
        %div3A_375 = arith.constant 1.000000e+00 : f32
        %div3A_376 = vector.broadcast %div3A_375 : f32 to vector<16xf32>
        %div3A_377 = arith.divf %div3A_376, %add3A_374 : vector<16xf32>
        %swap3A_378 = arith.index_cast %add3A_364 : i32 to index
        %swap3A_379 = tpu.vector_load %run_scoped3A_0[%swap3A_378] {strides = array<i32>} : memref<10240xf32, #tpu.memory_space<vmem>>, vector<16xf32>,
        %swap3A_380 = vector.shape_cast %swap3A_379 : vector<16xf32> to vector<16xf32>
        %swap3A_381 = vector.shape_cast %div3A_377 : vector<16xf32> to vector<16xf32>
        tpu.vector_store %run_scoped3A_0[%swap3A_378], %swap3A_381 {strides = array<i32>} : memref<10240xf32, #tpu.memory_space<vmem>>, vector<16xf32>,
        %add3A_382 = arith.addi %mul3A_12, %add3A_298 : i32
        %add3A_383 = arith.constant 32 : i32
        %add3A_384 = arith.addi %add3A_382, %add3A_383 : i32
        %add3A_385 = vector.broadcast %add3A_384 : i32 to vector<16xi32>
        %add3A_386 = arith.addi %add3A_385, %iota3A : vector<16xi32>
        %lt3A_387 = vector.broadcast %mul3A_121 : i32 to vector<16xi32>
        %lt3A_388 = arith.cmpi slt, %add3A_386, %lt3A_387 : vector<16xi32>
        %select_n3A_389 = arith.select %lt3A_388, %select_n3A_84, %select_n3A_117 : vector<16xi1>, vector<16xf32>
        %mul3A_390 = arith.mulf %div3A_377, %select_n3A_389 : vector<16xf32>
        %swap3A_391 = arith.index_cast %add3A_364 : i32 to index
        %swap3A_392 = tpu.vector_load %run_scoped3A_1[%swap3A_391] {strides = array<i32>} : memref<10240xf32, #tpu.memory_space<vmem>>, vector<16xf32>,
        %swap3A_393 = vector.shape_cast %swap3A_392 : vector<16xf32> to vector<16xf32>
        %swap3A_394 = vector.shape_cast %mul3A_390 : vector<16xf32> to vector<16xf32>
        tpu.vector_store %run_scoped3A_1[%swap3A_391], %swap3A_394 {strides = array<i32>} : memref<10240xf32, #tpu.memory_space<vmem>>, vector<16xf32>,
        %add3A_395 = arith.constant 48 : i32
        %add3A_396 = arith.addi %add3A_298, %add3A_395 : i32
        %get3A_397 = arith.index_cast %add3A_396 : i32 to index
        %get3A_398 = tpu.vector_load %run_scoped3A_0[%get3A_397] {strides = array<i32>} : memref<10240xf32, #tpu.memory_space<vmem>>, vector<16xf32>,
        %get3A_399 = vector.shape_cast %get3A_398 : vector<16xf32> to vector<16xf32>
        %neg3A_400 = arith.constant 0.000000e+00 : f32
        %neg3A_401 = vector.broadcast %neg3A_400 : f32 to vector<16xf32>
        %neg3A_402 = arith.subf %neg3A_401, %get3A_399 : vector<16xf32>
        %exp3A_403 = math.exp %neg3A_402 : vector<16xf32>
        %add3A_404 = arith.constant 1.000000e+00 : f32
        %add3A_405 = vector.broadcast %add3A_404 : f32 to vector<16xf32>
        %add3A_406 = arith.addf %add3A_405, %exp3A_403 : vector<16xf32>
        %div3A_407 = arith.constant 1.000000e+00 : f32
        %div3A_408 = vector.broadcast %div3A_407 : f32 to vector<16xf32>
        %div3A_409 = arith.divf %div3A_408, %add3A_406 : vector<16xf32>
        %swap3A_410 = arith.index_cast %add3A_396 : i32 to index
        %swap3A_411 = tpu.vector_load %run_scoped3A_0[%swap3A_410] {strides = array<i32>} : memref<10240xf32, #tpu.memory_space<vmem>>, vector<16xf32>,
        %swap3A_412 = vector.shape_cast %swap3A_411 : vector<16xf32> to vector<16xf32>
        %swap3A_413 = vector.shape_cast %div3A_409 : vector<16xf32> to vector<16xf32>
        tpu.vector_store %run_scoped3A_0[%swap3A_410], %swap3A_413 {strides = array<i32>} : memref<10240xf32, #tpu.memory_space<vmem>>, vector<16xf32>,
        %add3A_414 = arith.addi %mul3A_12, %add3A_298 : i32
        %add3A_415 = arith.constant 48 : i32
        %add3A_416 = arith.addi %add3A_414, %add3A_415 : i32
        %add3A_417 = vector.broadcast %add3A_416 : i32 to vector<16xi32>
        %add3A_418 = arith.addi %add3A_417, %iota3A : vector<16xi32>
        %lt3A_419 = vector.broadcast %mul3A_121 : i32 to vector<16xi32>
        %lt3A_420 = arith.cmpi slt, %add3A_418, %lt3A_419 : vector<16xi32>
        %select_n3A_421 = arith.select %lt3A_420, %select_n3A_84, %select_n3A_117 : vector<16xi1>, vector<16xf32>
        %mul3A_422 = arith.mulf %div3A_409, %select_n3A_421 : vector<16xf32>
        %swap3A_423 = arith.index_cast %add3A_396 : i32 to index
        %swap3A_424 = tpu.vector_load %run_scoped3A_1[%swap3A_423] {strides = array<i32>} : memref<10240xf32, #tpu.memory_space<vmem>>, vector<16xf32>,
        %swap3A_425 = vector.shape_cast %swap3A_424 : vector<16xf32> to vector<16xf32>
        %swap3A_426 = vector.shape_cast %mul3A_422 : vector<16xf32> to vector<16xf32>
        tpu.vector_store %run_scoped3A_1[%swap3A_423], %swap3A_426 {strides = array<i32>} : memref<10240xf32, #tpu.memory_space<vmem>>, vector<16xf32>,
        %add3A_427 = arith.constant 64 : i32
        %add3A_428 = arith.addi %add3A_298, %add3A_427 : i32
        %get3A_429 = arith.index_cast %add3A_428 : i32 to index
        %get3A_430 = tpu.vector_load %run_scoped3A_0[%get3A_429] {strides = array<i32>} : memref<10240xf32, #tpu.memory_space<vmem>>, vector<16xf32>,
        %get3A_431 = vector.shape_cast %get3A_430 : vector<16xf32> to vector<16xf32>
        %neg3A_432 = arith.constant 0.000000e+00 : f32
        %neg3A_433 = vector.broadcast %neg3A_432 : f32 to vector<16xf32>
        %neg3A_434 = arith.subf %neg3A_433, %get3A_431 : vector<16xf32>
        %exp3A_435 = math.exp %neg3A_434 : vector<16xf32>
        %add3A_436 = arith.constant 1.000000e+00 : f32
        %add3A_437 = vector.broadcast %add3A_436 : f32 to vector<16xf32>
        %add3A_438 = arith.addf %add3A_437, %exp3A_435 : vector<16xf32>
        %div3A_439 = arith.constant 1.000000e+00 : f32
        %div3A_440 = vector.broadcast %div3A_439 : f32 to vector<16xf32>
        %div3A_441 = arith.divf %div3A_440, %add3A_438 : vector<16xf32>
        %swap3A_442 = arith.index_cast %add3A_428 : i32 to index
        %swap3A_443 = tpu.vector_load %run_scoped3A_0[%swap3A_442] {strides = array<i32>} : memref<10240xf32, #tpu.memory_space<vmem>>, vector<16xf32>,
        %swap3A_444 = vector.shape_cast %swap3A_443 : vector<16xf32> to vector<16xf32>
        %swap3A_445 = vector.shape_cast %div3A_441 : vector<16xf32> to vector<16xf32>
        tpu.vector_store %run_scoped3A_0[%swap3A_442], %swap3A_445 {strides = array<i32>} : memref<10240xf32, #tpu.memory_space<vmem>>, vector<16xf32>,
        %add3A_446 = arith.addi %mul3A_12, %add3A_298 : i32
        %add3A_447 = arith.constant 64 : i32
        %add3A_448 = arith.addi %add3A_446, %add3A_447 : i32
        %add3A_449 = vector.broadcast %add3A_448 : i32 to vector<16xi32>
        %add3A_450 = arith.addi %add3A_449, %iota3A : vector<16xi32>
        %lt3A_451 = vector.broadcast %mul3A_121 : i32 to vector<16xi32>
        %lt3A_452 = arith.cmpi slt, %add3A_450, %lt3A_451 : vector<16xi32>
        %select_n3A_453 = arith.select %lt3A_452, %select_n3A_84, %select_n3A_117 : vector<16xi1>, vector<16xf32>
        %mul3A_454 = arith.mulf %div3A_441, %select_n3A_453 : vector<16xf32>
        %swap3A_455 = arith.index_cast %add3A_428 : i32 to index
        %swap3A_456 = tpu.vector_load %run_scoped3A_1[%swap3A_455] {strides = array<i32>} : memref<10240xf32, #tpu.memory_space<vmem>>, vector<16xf32>,
        %swap3A_457 = vector.shape_cast %swap3A_456 : vector<16xf32> to vector<16xf32>
        %swap3A_458 = vector.shape_cast %mul3A_454 : vector<16xf32> to vector<16xf32>
        tpu.vector_store %run_scoped3A_1[%swap3A_455], %swap3A_458 {strides = array<i32>} : memref<10240xf32, #tpu.memory_space<vmem>>, vector<16xf32>,
      }
      %scan3A_204 = arith.constant 32 : i32
      %add3A_205 = arith.constant 5120 : i32
      %add3A_206 = arith.addi %mul3A_12, %add3A_205 : i32
      %dma_start3A_207 = arith.constant 5120 : i32
      %dma_start3A_208 = tpu.memref_slice %run_scoped3A_0[%dma_start3A_207] : memref<10240xf32, #tpu.memory_space<vmem>> -> memref<2560xf32, #tpu.memory_space<vmem>>
      %dma_start3A_209 = tpu.memref_slice %arg7[%add3A_206] : memref<327680xf32, #tpu.memory_space<hbm>> -> memref<2560xf32, #tpu.memory_space<hbm>>
      %dma_start3A_210 = tpu.memref_slice %arg7[%add3A_206] : memref<327680xf32, #tpu.memory_space<hbm>> -> memref<2560xf32, #tpu.memory_space<hbm>>
      %dma_start3A_211 = arith.constant 5120 : i32
      %dma_start3A_212 = tpu.memref_slice %run_scoped3A_0[%dma_start3A_211] : memref<10240xf32, #tpu.memory_space<vmem>> -> memref<2560xf32, #tpu.memory_space<vmem>>
      tpu.enqueue_dma source(%dma_start3A_212 : memref<2560xf32, #tpu.memory_space<vmem>>) target(%dma_start3A_210 : memref<2560xf32, #tpu.memory_space<hbm>>) target_semaphore(%run_scoped3A_8 : memref<!tpu.dma_semaphore, #tpu.memory_space<semaphore_mem>>)
      %dma_start3A_213 = arith.constant 5120 : i32
      %dma_start3A_214 = tpu.memref_slice %run_scoped3A_1[%dma_start3A_213] : memref<10240xf32, #tpu.memory_space<vmem>> -> memref<2560xf32, #tpu.memory_space<vmem>>
      %dma_start3A_215 = tpu.memref_slice %arg5[%add3A_206] : memref<327680xf32, #tpu.memory_space<hbm>> -> memref<2560xf32, #tpu.memory_space<hbm>>
      %dma_start3A_216 = tpu.memref_slice %arg5[%add3A_206] : memref<327680xf32, #tpu.memory_space<hbm>> -> memref<2560xf32, #tpu.memory_space<hbm>>
      %dma_start3A_217 = arith.constant 5120 : i32
      %dma_start3A_218 = tpu.memref_slice %run_scoped3A_1[%dma_start3A_217] : memref<10240xf32, #tpu.memory_space<vmem>> -> memref<2560xf32, #tpu.memory_space<vmem>>
      tpu.enqueue_dma source(%dma_start3A_218 : memref<2560xf32, #tpu.memory_space<vmem>>) target(%dma_start3A_216 : memref<2560xf32, #tpu.memory_space<hbm>>) target_semaphore(%run_scoped3A_9 : memref<!tpu.dma_semaphore, #tpu.memory_space<semaphore_mem>>)
      %dma_wait3A_219 = arith.constant 7680 : i32
      %dma_wait3A_220 = tpu.memref_slice %run_scoped3A_0[%dma_wait3A_219] : memref<10240xf32, #tpu.memory_space<vmem>> -> memref<2560xf32, #tpu.memory_space<vmem>>
      %dma_wait3A_221 = arith.constant 7680 : i32
      %dma_wait3A_222 = tpu.memref_slice %run_scoped3A[%dma_wait3A_221] : memref<10240xi32, #tpu.memory_space<vmem>> -> memref<2560xi32, #tpu.memory_space<vmem>>
      %dma_wait3A_223 = arith.constant 0 : i32
      %dma_wait3A_224 = tpu.memref_slice %arg8[%dma_wait3A_223] : memref<1000064xf32, #tpu.memory_space<vmem_shared>> -> memref<1000064xf32, #tpu.memory_space<vmem_shared>>
      tpu.wait_indirect_dma semaphore(%run_scoped3A_7 : memref<!tpu.dma_semaphore, #tpu.memory_space<semaphore_mem>>) src(%dma_wait3A_224 : memref<1000064xf32, #tpu.memory_space<vmem_shared>>) dst(%dma_wait3A_220 : memref<2560xf32, #tpu.memory_space<vmem>>)
      %scan3A_225 = arith.constant 0 : i32
      %scan3A_226 = arith.constant 32 : i32
      %scan3A_227 = arith.addi %scan3A_225, %scan3A_226 : i32
      %scan3A_228 = arith.constant 1 : i32
      scf.for %scan3A_294 = %scan3A_225 to %scan3A_227 step %scan3A_228  : i32 {
        %mul3A_295 = arith.constant 80 : i32
        %mul3A_296 = arith.muli %scan3A_294, %mul3A_295 : i32
        %add3A_297 = arith.constant 7680 : i32
        %add3A_298 = arith.addi %add3A_297, %mul3A_296 : i32
        %add3A_299 = arith.constant 0 : i32
        %add3A_300 = arith.addi %add3A_298, %add3A_299 : i32
        %get3A_301 = arith.index_cast %add3A_300 : i32 to index
        %get3A_302 = tpu.vector_load %run_scoped3A_0[%get3A_301] {strides = array<i32>} : memref<10240xf32, #tpu.memory_space<vmem>>, vector<16xf32>,
        %get3A_303 = vector.shape_cast %get3A_302 : vector<16xf32> to vector<16xf32>
        %neg3A_304 = arith.constant 0.000000e+00 : f32
        %neg3A_305 = vector.broadcast %neg3A_304 : f32 to vector<16xf32>
        %neg3A_306 = arith.subf %neg3A_305, %get3A_303 : vector<16xf32>
        %exp3A_307 = math.exp %neg3A_306 : vector<16xf32>
        %add3A_308 = arith.constant 1.000000e+00 : f32
        %add3A_309 = vector.broadcast %add3A_308 : f32 to vector<16xf32>
        %add3A_310 = arith.addf %add3A_309, %exp3A_307 : vector<16xf32>
        %div3A_311 = arith.constant 1.000000e+00 : f32
        %div3A_312 = vector.broadcast %div3A_311 : f32 to vector<16xf32>
        %div3A_313 = arith.divf %div3A_312, %add3A_310 : vector<16xf32>
        %swap3A_314 = arith.index_cast %add3A_300 : i32 to index
        %swap3A_315 = tpu.vector_load %run_scoped3A_0[%swap3A_314] {strides = array<i32>} : memref<10240xf32, #tpu.memory_space<vmem>>, vector<16xf32>,
        %swap3A_316 = vector.shape_cast %swap3A_315 : vector<16xf32> to vector<16xf32>
        %swap3A_317 = vector.shape_cast %div3A_313 : vector<16xf32> to vector<16xf32>
        tpu.vector_store %run_scoped3A_0[%swap3A_314], %swap3A_317 {strides = array<i32>} : memref<10240xf32, #tpu.memory_space<vmem>>, vector<16xf32>,
        %add3A_318 = arith.addi %mul3A_12, %add3A_298 : i32
        %add3A_319 = arith.constant 0 : i32
        %add3A_320 = arith.addi %add3A_318, %add3A_319 : i32
        %add3A_321 = vector.broadcast %add3A_320 : i32 to vector<16xi32>
        %add3A_322 = arith.addi %add3A_321, %iota3A : vector<16xi32>
        %lt3A_323 = vector.broadcast %mul3A_121 : i32 to vector<16xi32>
        %lt3A_324 = arith.cmpi slt, %add3A_322, %lt3A_323 : vector<16xi32>
        %select_n3A_325 = arith.select %lt3A_324, %select_n3A_84, %select_n3A_117 : vector<16xi1>, vector<16xf32>
        %mul3A_326 = arith.mulf %div3A_313, %select_n3A_325 : vector<16xf32>
        %swap3A_327 = arith.index_cast %add3A_300 : i32 to index
        %swap3A_328 = tpu.vector_load %run_scoped3A_1[%swap3A_327] {strides = array<i32>} : memref<10240xf32, #tpu.memory_space<vmem>>, vector<16xf32>,
        %swap3A_329 = vector.shape_cast %swap3A_328 : vector<16xf32> to vector<16xf32>
        %swap3A_330 = vector.shape_cast %mul3A_326 : vector<16xf32> to vector<16xf32>
        tpu.vector_store %run_scoped3A_1[%swap3A_327], %swap3A_330 {strides = array<i32>} : memref<10240xf32, #tpu.memory_space<vmem>>, vector<16xf32>,
        %add3A_331 = arith.constant 16 : i32
        %add3A_332 = arith.addi %add3A_298, %add3A_331 : i32
        %get3A_333 = arith.index_cast %add3A_332 : i32 to index
        %get3A_334 = tpu.vector_load %run_scoped3A_0[%get3A_333] {strides = array<i32>} : memref<10240xf32, #tpu.memory_space<vmem>>, vector<16xf32>,
        %get3A_335 = vector.shape_cast %get3A_334 : vector<16xf32> to vector<16xf32>
        %neg3A_336 = arith.constant 0.000000e+00 : f32
        %neg3A_337 = vector.broadcast %neg3A_336 : f32 to vector<16xf32>
        %neg3A_338 = arith.subf %neg3A_337, %get3A_335 : vector<16xf32>
        %exp3A_339 = math.exp %neg3A_338 : vector<16xf32>
        %add3A_340 = arith.constant 1.000000e+00 : f32
        %add3A_341 = vector.broadcast %add3A_340 : f32 to vector<16xf32>
        %add3A_342 = arith.addf %add3A_341, %exp3A_339 : vector<16xf32>
        %div3A_343 = arith.constant 1.000000e+00 : f32
        %div3A_344 = vector.broadcast %div3A_343 : f32 to vector<16xf32>
        %div3A_345 = arith.divf %div3A_344, %add3A_342 : vector<16xf32>
        %swap3A_346 = arith.index_cast %add3A_332 : i32 to index
        %swap3A_347 = tpu.vector_load %run_scoped3A_0[%swap3A_346] {strides = array<i32>} : memref<10240xf32, #tpu.memory_space<vmem>>, vector<16xf32>,
        %swap3A_348 = vector.shape_cast %swap3A_347 : vector<16xf32> to vector<16xf32>
        %swap3A_349 = vector.shape_cast %div3A_345 : vector<16xf32> to vector<16xf32>
        tpu.vector_store %run_scoped3A_0[%swap3A_346], %swap3A_349 {strides = array<i32>} : memref<10240xf32, #tpu.memory_space<vmem>>, vector<16xf32>,
        %add3A_350 = arith.addi %mul3A_12, %add3A_298 : i32
        %add3A_351 = arith.constant 16 : i32
        %add3A_352 = arith.addi %add3A_350, %add3A_351 : i32
        %add3A_353 = vector.broadcast %add3A_352 : i32 to vector<16xi32>
        %add3A_354 = arith.addi %add3A_353, %iota3A : vector<16xi32>
        %lt3A_355 = vector.broadcast %mul3A_121 : i32 to vector<16xi32>
        %lt3A_356 = arith.cmpi slt, %add3A_354, %lt3A_355 : vector<16xi32>
        %select_n3A_357 = arith.select %lt3A_356, %select_n3A_84, %select_n3A_117 : vector<16xi1>, vector<16xf32>
        %mul3A_358 = arith.mulf %div3A_345, %select_n3A_357 : vector<16xf32>
        %swap3A_359 = arith.index_cast %add3A_332 : i32 to index
        %swap3A_360 = tpu.vector_load %run_scoped3A_1[%swap3A_359] {strides = array<i32>} : memref<10240xf32, #tpu.memory_space<vmem>>, vector<16xf32>,
        %swap3A_361 = vector.shape_cast %swap3A_360 : vector<16xf32> to vector<16xf32>
        %swap3A_362 = vector.shape_cast %mul3A_358 : vector<16xf32> to vector<16xf32>
        tpu.vector_store %run_scoped3A_1[%swap3A_359], %swap3A_362 {strides = array<i32>} : memref<10240xf32, #tpu.memory_space<vmem>>, vector<16xf32>,
        %add3A_363 = arith.constant 32 : i32
        %add3A_364 = arith.addi %add3A_298, %add3A_363 : i32
        %get3A_365 = arith.index_cast %add3A_364 : i32 to index
        %get3A_366 = tpu.vector_load %run_scoped3A_0[%get3A_365] {strides = array<i32>} : memref<10240xf32, #tpu.memory_space<vmem>>, vector<16xf32>,
        %get3A_367 = vector.shape_cast %get3A_366 : vector<16xf32> to vector<16xf32>
        %neg3A_368 = arith.constant 0.000000e+00 : f32
        %neg3A_369 = vector.broadcast %neg3A_368 : f32 to vector<16xf32>
        %neg3A_370 = arith.subf %neg3A_369, %get3A_367 : vector<16xf32>
        %exp3A_371 = math.exp %neg3A_370 : vector<16xf32>
        %add3A_372 = arith.constant 1.000000e+00 : f32
        %add3A_373 = vector.broadcast %add3A_372 : f32 to vector<16xf32>
        %add3A_374 = arith.addf %add3A_373, %exp3A_371 : vector<16xf32>
        %div3A_375 = arith.constant 1.000000e+00 : f32
        %div3A_376 = vector.broadcast %div3A_375 : f32 to vector<16xf32>
        %div3A_377 = arith.divf %div3A_376, %add3A_374 : vector<16xf32>
        %swap3A_378 = arith.index_cast %add3A_364 : i32 to index
        %swap3A_379 = tpu.vector_load %run_scoped3A_0[%swap3A_378] {strides = array<i32>} : memref<10240xf32, #tpu.memory_space<vmem>>, vector<16xf32>,
        %swap3A_380 = vector.shape_cast %swap3A_379 : vector<16xf32> to vector<16xf32>
        %swap3A_381 = vector.shape_cast %div3A_377 : vector<16xf32> to vector<16xf32>
        tpu.vector_store %run_scoped3A_0[%swap3A_378], %swap3A_381 {strides = array<i32>} : memref<10240xf32, #tpu.memory_space<vmem>>, vector<16xf32>,
        %add3A_382 = arith.addi %mul3A_12, %add3A_298 : i32
        %add3A_383 = arith.constant 32 : i32
        %add3A_384 = arith.addi %add3A_382, %add3A_383 : i32
        %add3A_385 = vector.broadcast %add3A_384 : i32 to vector<16xi32>
        %add3A_386 = arith.addi %add3A_385, %iota3A : vector<16xi32>
        %lt3A_387 = vector.broadcast %mul3A_121 : i32 to vector<16xi32>
        %lt3A_388 = arith.cmpi slt, %add3A_386, %lt3A_387 : vector<16xi32>
        %select_n3A_389 = arith.select %lt3A_388, %select_n3A_84, %select_n3A_117 : vector<16xi1>, vector<16xf32>
        %mul3A_390 = arith.mulf %div3A_377, %select_n3A_389 : vector<16xf32>
        %swap3A_391 = arith.index_cast %add3A_364 : i32 to index
        %swap3A_392 = tpu.vector_load %run_scoped3A_1[%swap3A_391] {strides = array<i32>} : memref<10240xf32, #tpu.memory_space<vmem>>, vector<16xf32>,
        %swap3A_393 = vector.shape_cast %swap3A_392 : vector<16xf32> to vector<16xf32>
        %swap3A_394 = vector.shape_cast %mul3A_390 : vector<16xf32> to vector<16xf32>
        tpu.vector_store %run_scoped3A_1[%swap3A_391], %swap3A_394 {strides = array<i32>} : memref<10240xf32, #tpu.memory_space<vmem>>, vector<16xf32>,
        %add3A_395 = arith.constant 48 : i32
        %add3A_396 = arith.addi %add3A_298, %add3A_395 : i32
        %get3A_397 = arith.index_cast %add3A_396 : i32 to index
        %get3A_398 = tpu.vector_load %run_scoped3A_0[%get3A_397] {strides = array<i32>} : memref<10240xf32, #tpu.memory_space<vmem>>, vector<16xf32>,
        %get3A_399 = vector.shape_cast %get3A_398 : vector<16xf32> to vector<16xf32>
        %neg3A_400 = arith.constant 0.000000e+00 : f32
        %neg3A_401 = vector.broadcast %neg3A_400 : f32 to vector<16xf32>
        %neg3A_402 = arith.subf %neg3A_401, %get3A_399 : vector<16xf32>
        %exp3A_403 = math.exp %neg3A_402 : vector<16xf32>
        %add3A_404 = arith.constant 1.000000e+00 : f32
        %add3A_405 = vector.broadcast %add3A_404 : f32 to vector<16xf32>
        %add3A_406 = arith.addf %add3A_405, %exp3A_403 : vector<16xf32>
        %div3A_407 = arith.constant 1.000000e+00 : f32
        %div3A_408 = vector.broadcast %div3A_407 : f32 to vector<16xf32>
        %div3A_409 = arith.divf %div3A_408, %add3A_406 : vector<16xf32>
        %swap3A_410 = arith.index_cast %add3A_396 : i32 to index
        %swap3A_411 = tpu.vector_load %run_scoped3A_0[%swap3A_410] {strides = array<i32>} : memref<10240xf32, #tpu.memory_space<vmem>>, vector<16xf32>,
        %swap3A_412 = vector.shape_cast %swap3A_411 : vector<16xf32> to vector<16xf32>
        %swap3A_413 = vector.shape_cast %div3A_409 : vector<16xf32> to vector<16xf32>
        tpu.vector_store %run_scoped3A_0[%swap3A_410], %swap3A_413 {strides = array<i32>} : memref<10240xf32, #tpu.memory_space<vmem>>, vector<16xf32>,
        %add3A_414 = arith.addi %mul3A_12, %add3A_298 : i32
        %add3A_415 = arith.constant 48 : i32
        %add3A_416 = arith.addi %add3A_414, %add3A_415 : i32
        %add3A_417 = vector.broadcast %add3A_416 : i32 to vector<16xi32>
        %add3A_418 = arith.addi %add3A_417, %iota3A : vector<16xi32>
        %lt3A_419 = vector.broadcast %mul3A_121 : i32 to vector<16xi32>
        %lt3A_420 = arith.cmpi slt, %add3A_418, %lt3A_419 : vector<16xi32>
        %select_n3A_421 = arith.select %lt3A_420, %select_n3A_84, %select_n3A_117 : vector<16xi1>, vector<16xf32>
        %mul3A_422 = arith.mulf %div3A_409, %select_n3A_421 : vector<16xf32>
        %swap3A_423 = arith.index_cast %add3A_396 : i32 to index
        %swap3A_424 = tpu.vector_load %run_scoped3A_1[%swap3A_423] {strides = array<i32>} : memref<10240xf32, #tpu.memory_space<vmem>>, vector<16xf32>,
        %swap3A_425 = vector.shape_cast %swap3A_424 : vector<16xf32> to vector<16xf32>
        %swap3A_426 = vector.shape_cast %mul3A_422 : vector<16xf32> to vector<16xf32>
        tpu.vector_store %run_scoped3A_1[%swap3A_423], %swap3A_426 {strides = array<i32>} : memref<10240xf32, #tpu.memory_space<vmem>>, vector<16xf32>,
        %add3A_427 = arith.constant 64 : i32
        %add3A_428 = arith.addi %add3A_298, %add3A_427 : i32
        %get3A_429 = arith.index_cast %add3A_428 : i32 to index
        %get3A_430 = tpu.vector_load %run_scoped3A_0[%get3A_429] {strides = array<i32>} : memref<10240xf32, #tpu.memory_space<vmem>>, vector<16xf32>,
        %get3A_431 = vector.shape_cast %get3A_430 : vector<16xf32> to vector<16xf32>
        %neg3A_432 = arith.constant 0.000000e+00 : f32
        %neg3A_433 = vector.broadcast %neg3A_432 : f32 to vector<16xf32>
        %neg3A_434 = arith.subf %neg3A_433, %get3A_431 : vector<16xf32>
        %exp3A_435 = math.exp %neg3A_434 : vector<16xf32>
        %add3A_436 = arith.constant 1.000000e+00 : f32
        %add3A_437 = vector.broadcast %add3A_436 : f32 to vector<16xf32>
        %add3A_438 = arith.addf %add3A_437, %exp3A_435 : vector<16xf32>
        %div3A_439 = arith.constant 1.000000e+00 : f32
        %div3A_440 = vector.broadcast %div3A_439 : f32 to vector<16xf32>
        %div3A_441 = arith.divf %div3A_440, %add3A_438 : vector<16xf32>
        %swap3A_442 = arith.index_cast %add3A_428 : i32 to index
        %swap3A_443 = tpu.vector_load %run_scoped3A_0[%swap3A_442] {strides = array<i32>} : memref<10240xf32, #tpu.memory_space<vmem>>, vector<16xf32>,
        %swap3A_444 = vector.shape_cast %swap3A_443 : vector<16xf32> to vector<16xf32>
        %swap3A_445 = vector.shape_cast %div3A_441 : vector<16xf32> to vector<16xf32>
        tpu.vector_store %run_scoped3A_0[%swap3A_442], %swap3A_445 {strides = array<i32>} : memref<10240xf32, #tpu.memory_space<vmem>>, vector<16xf32>,
        %add3A_446 = arith.addi %mul3A_12, %add3A_298 : i32
        %add3A_447 = arith.constant 64 : i32
        %add3A_448 = arith.addi %add3A_446, %add3A_447 : i32
        %add3A_449 = vector.broadcast %add3A_448 : i32 to vector<16xi32>
        %add3A_450 = arith.addi %add3A_449, %iota3A : vector<16xi32>
        %lt3A_451 = vector.broadcast %mul3A_121 : i32 to vector<16xi32>
        %lt3A_452 = arith.cmpi slt, %add3A_450, %lt3A_451 : vector<16xi32>
        %select_n3A_453 = arith.select %lt3A_452, %select_n3A_84, %select_n3A_117 : vector<16xi1>, vector<16xf32>
        %mul3A_454 = arith.mulf %div3A_441, %select_n3A_453 : vector<16xf32>
        %swap3A_455 = arith.index_cast %add3A_428 : i32 to index
        %swap3A_456 = tpu.vector_load %run_scoped3A_1[%swap3A_455] {strides = array<i32>} : memref<10240xf32, #tpu.memory_space<vmem>>, vector<16xf32>,
        %swap3A_457 = vector.shape_cast %swap3A_456 : vector<16xf32> to vector<16xf32>
        %swap3A_458 = vector.shape_cast %mul3A_454 : vector<16xf32> to vector<16xf32>
        tpu.vector_store %run_scoped3A_1[%swap3A_455], %swap3A_458 {strides = array<i32>} : memref<10240xf32, #tpu.memory_space<vmem>>, vector<16xf32>,
      }
      %scan3A_229 = arith.constant 32 : i32
      %add3A_230 = arith.constant 7680 : i32
      %add3A_231 = arith.addi %mul3A_12, %add3A_230 : i32
      %dma_start3A_232 = arith.constant 7680 : i32
      %dma_start3A_233 = tpu.memref_slice %run_scoped3A_0[%dma_start3A_232] : memref<10240xf32, #tpu.memory_space<vmem>> -> memref<2560xf32, #tpu.memory_space<vmem>>
      %dma_start3A_234 = tpu.memref_slice %arg7[%add3A_231] : memref<327680xf32, #tpu.memory_space<hbm>> -> memref<2560xf32, #tpu.memory_space<hbm>>
      %dma_start3A_235 = tpu.memref_slice %arg7[%add3A_231] : memref<327680xf32, #tpu.memory_space<hbm>> -> memref<2560xf32, #tpu.memory_space<hbm>>
      %dma_start3A_236 = arith.constant 7680 : i32
      %dma_start3A_237 = tpu.memref_slice %run_scoped3A_0[%dma_start3A_236] : memref<10240xf32, #tpu.memory_space<vmem>> -> memref<2560xf32, #tpu.memory_space<vmem>>
      tpu.enqueue_dma source(%dma_start3A_237 : memref<2560xf32, #tpu.memory_space<vmem>>) target(%dma_start3A_235 : memref<2560xf32, #tpu.memory_space<hbm>>) target_semaphore(%run_scoped3A_8 : memref<!tpu.dma_semaphore, #tpu.memory_space<semaphore_mem>>)
      %dma_start3A_238 = arith.constant 7680 : i32
      %dma_start3A_239 = tpu.memref_slice %run_scoped3A_1[%dma_start3A_238] : memref<10240xf32, #tpu.memory_space<vmem>> -> memref<2560xf32, #tpu.memory_space<vmem>>
      %dma_start3A_240 = tpu.memref_slice %arg5[%add3A_231] : memref<327680xf32, #tpu.memory_space<hbm>> -> memref<2560xf32, #tpu.memory_space<hbm>>
      %dma_start3A_241 = tpu.memref_slice %arg5[%add3A_231] : memref<327680xf32, #tpu.memory_space<hbm>> -> memref<2560xf32, #tpu.memory_space<hbm>>
      %dma_start3A_242 = arith.constant 7680 : i32
      %dma_start3A_243 = tpu.memref_slice %run_scoped3A_1[%dma_start3A_242] : memref<10240xf32, #tpu.memory_space<vmem>> -> memref<2560xf32, #tpu.memory_space<vmem>>
      tpu.enqueue_dma source(%dma_start3A_243 : memref<2560xf32, #tpu.memory_space<vmem>>) target(%dma_start3A_241 : memref<2560xf32, #tpu.memory_space<hbm>>) target_semaphore(%run_scoped3A_9 : memref<!tpu.dma_semaphore, #tpu.memory_space<semaphore_mem>>)
      %eq3A = arith.constant 0 : i32
      %eq3A_244 = arith.cmpi eq, %add3A, %eq3A : i32
      %convert_element_type3A = arith.extui %eq3A_244 : i1 to i32
      %cond3A = arith.constant 0 : i32
      %cond3A_245 = arith.cmpi ne, %convert_element_type3A, %cond3A : i32
      scf.if %cond3A_245 {
        "tpu.region"() ({
          %run_scoped3A_294 = tpu.sem_alloc : memref<!tpu.dma_semaphore, #tpu.memory_space<semaphore_mem>>
          %dma_start3A_295 = arith.constant 0 : i32
          %dma_start3A_296 = tpu.memref_slice %run_scoped3A_3[%dma_start3A_295] : memref<40xf32, #tpu.memory_space<vmem>> -> memref<20xf32, #tpu.memory_space<vmem>>
          %dma_start3A_297 = arith.constant 0 : i32
          %dma_start3A_298 = tpu.memref_slice %run_scoped3A_3[%dma_start3A_297] : memref<40xf32, #tpu.memory_space<vmem>> -> memref<20xf32, #tpu.memory_space<vmem>>
          tpu.enqueue_dma source(%dma_start3A_298 : memref<20xf32, #tpu.memory_space<vmem>>) target(%arg6 : memref<20xf32, #tpu.memory_space<hbm>>) target_semaphore(%run_scoped3A_294 : memref<!tpu.dma_semaphore, #tpu.memory_space<semaphore_mem>>)
          %dma_wait3A_299 = arith.constant 0 : i32
          %dma_wait3A_300 = tpu.memref_slice %run_scoped3A_3[%dma_wait3A_299] : memref<40xf32, #tpu.memory_space<vmem>> -> memref<20xf32, #tpu.memory_space<vmem>>
          %dma_wait3A_301 = arith.constant 0 : i32
          %dma_wait3A_302 = tpu.memref_slice %run_scoped3A_3[%dma_wait3A_301] : memref<40xf32, #tpu.memory_space<vmem>> -> memref<20xf32, #tpu.memory_space<vmem>>
          tpu.wait_dma2 semaphore(%run_scoped3A_294 : memref<!tpu.dma_semaphore, #tpu.memory_space<semaphore_mem>>) src(%dma_wait3A_302 : memref<20xf32, #tpu.memory_space<vmem>>) dst(%arg6 : memref<20xf32, #tpu.memory_space<hbm>>)
          tpu.yield
        }) : () -> ()
      } else {
      }
      %dma_wait3A_246 = arith.constant 0 : i32
      %dma_wait3A_247 = tpu.memref_slice %run_scoped3A_0[%dma_wait3A_246] : memref<10240xf32, #tpu.memory_space<vmem>> -> memref<2560xf32, #tpu.memory_space<vmem>>
      %dma_wait3A_248 = tpu.memref_slice %arg7[%add3A_156] : memref<327680xf32, #tpu.memory_space<hbm>> -> memref<2560xf32, #tpu.memory_space<hbm>>
      %dma_wait3A_249 = tpu.memref_slice %arg7[%add3A_156] : memref<327680xf32, #tpu.memory_space<hbm>> -> memref<2560xf32, #tpu.memory_space<hbm>>
      %dma_wait3A_250 = arith.constant 0 : i32
      %dma_wait3A_251 = tpu.memref_slice %run_scoped3A_0[%dma_wait3A_250] : memref<10240xf32, #tpu.memory_space<vmem>> -> memref<2560xf32, #tpu.memory_space<vmem>>
      tpu.wait_dma2 semaphore(%run_scoped3A_8 : memref<!tpu.dma_semaphore, #tpu.memory_space<semaphore_mem>>) src(%dma_wait3A_251 : memref<2560xf32, #tpu.memory_space<vmem>>) dst(%dma_wait3A_249 : memref<2560xf32, #tpu.memory_space<hbm>>)
      %dma_wait3A_252 = arith.constant 0 : i32
      %dma_wait3A_253 = tpu.memref_slice %run_scoped3A_1[%dma_wait3A_252] : memref<10240xf32, #tpu.memory_space<vmem>> -> memref<2560xf32, #tpu.memory_space<vmem>>
      %dma_wait3A_254 = tpu.memref_slice %arg5[%add3A_156] : memref<327680xf32, #tpu.memory_space<hbm>> -> memref<2560xf32, #tpu.memory_space<hbm>>
      %dma_wait3A_255 = tpu.memref_slice %arg5[%add3A_156] : memref<327680xf32, #tpu.memory_space<hbm>> -> memref<2560xf32, #tpu.memory_space<hbm>>
      %dma_wait3A_256 = arith.constant 0 : i32
      %dma_wait3A_257 = tpu.memref_slice %run_scoped3A_1[%dma_wait3A_256] : memref<10240xf32, #tpu.memory_space<vmem>> -> memref<2560xf32, #tpu.memory_space<vmem>>
      tpu.wait_dma2 semaphore(%run_scoped3A_9 : memref<!tpu.dma_semaphore, #tpu.memory_space<semaphore_mem>>) src(%dma_wait3A_257 : memref<2560xf32, #tpu.memory_space<vmem>>) dst(%dma_wait3A_255 : memref<2560xf32, #tpu.memory_space<hbm>>)
      %dma_wait3A_258 = arith.constant 2560 : i32
      %dma_wait3A_259 = tpu.memref_slice %run_scoped3A_0[%dma_wait3A_258] : memref<10240xf32, #tpu.memory_space<vmem>> -> memref<2560xf32, #tpu.memory_space<vmem>>
      %dma_wait3A_260 = tpu.memref_slice %arg7[%add3A_181] : memref<327680xf32, #tpu.memory_space<hbm>> -> memref<2560xf32, #tpu.memory_space<hbm>>
      %dma_wait3A_261 = tpu.memref_slice %arg7[%add3A_181] : memref<327680xf32, #tpu.memory_space<hbm>> -> memref<2560xf32, #tpu.memory_space<hbm>>
      %dma_wait3A_262 = arith.constant 2560 : i32
      %dma_wait3A_263 = tpu.memref_slice %run_scoped3A_0[%dma_wait3A_262] : memref<10240xf32, #tpu.memory_space<vmem>> -> memref<2560xf32, #tpu.memory_space<vmem>>
      tpu.wait_dma2 semaphore(%run_scoped3A_8 : memref<!tpu.dma_semaphore, #tpu.memory_space<semaphore_mem>>) src(%dma_wait3A_263 : memref<2560xf32, #tpu.memory_space<vmem>>) dst(%dma_wait3A_261 : memref<2560xf32, #tpu.memory_space<hbm>>)
      %dma_wait3A_264 = arith.constant 2560 : i32
      %dma_wait3A_265 = tpu.memref_slice %run_scoped3A_1[%dma_wait3A_264] : memref<10240xf32, #tpu.memory_space<vmem>> -> memref<2560xf32, #tpu.memory_space<vmem>>
      %dma_wait3A_266 = tpu.memref_slice %arg5[%add3A_181] : memref<327680xf32, #tpu.memory_space<hbm>> -> memref<2560xf32, #tpu.memory_space<hbm>>
      %dma_wait3A_267 = tpu.memref_slice %arg5[%add3A_181] : memref<327680xf32, #tpu.memory_space<hbm>> -> memref<2560xf32, #tpu.memory_space<hbm>>
      %dma_wait3A_268 = arith.constant 2560 : i32
      %dma_wait3A_269 = tpu.memref_slice %run_scoped3A_1[%dma_wait3A_268] : memref<10240xf32, #tpu.memory_space<vmem>> -> memref<2560xf32, #tpu.memory_space<vmem>>
      tpu.wait_dma2 semaphore(%run_scoped3A_9 : memref<!tpu.dma_semaphore, #tpu.memory_space<semaphore_mem>>) src(%dma_wait3A_269 : memref<2560xf32, #tpu.memory_space<vmem>>) dst(%dma_wait3A_267 : memref<2560xf32, #tpu.memory_space<hbm>>)
      %dma_wait3A_270 = arith.constant 5120 : i32
      %dma_wait3A_271 = tpu.memref_slice %run_scoped3A_0[%dma_wait3A_270] : memref<10240xf32, #tpu.memory_space<vmem>> -> memref<2560xf32, #tpu.memory_space<vmem>>
      %dma_wait3A_272 = tpu.memref_slice %arg7[%add3A_206] : memref<327680xf32, #tpu.memory_space<hbm>> -> memref<2560xf32, #tpu.memory_space<hbm>>
      %dma_wait3A_273 = tpu.memref_slice %arg7[%add3A_206] : memref<327680xf32, #tpu.memory_space<hbm>> -> memref<2560xf32, #tpu.memory_space<hbm>>
      %dma_wait3A_274 = arith.constant 5120 : i32
      %dma_wait3A_275 = tpu.memref_slice %run_scoped3A_0[%dma_wait3A_274] : memref<10240xf32, #tpu.memory_space<vmem>> -> memref<2560xf32, #tpu.memory_space<vmem>>
      tpu.wait_dma2 semaphore(%run_scoped3A_8 : memref<!tpu.dma_semaphore, #tpu.memory_space<semaphore_mem>>) src(%dma_wait3A_275 : memref<2560xf32, #tpu.memory_space<vmem>>) dst(%dma_wait3A_273 : memref<2560xf32, #tpu.memory_space<hbm>>)
      %dma_wait3A_276 = arith.constant 5120 : i32
      %dma_wait3A_277 = tpu.memref_slice %run_scoped3A_1[%dma_wait3A_276] : memref<10240xf32, #tpu.memory_space<vmem>> -> memref<2560xf32, #tpu.memory_space<vmem>>
      %dma_wait3A_278 = tpu.memref_slice %arg5[%add3A_206] : memref<327680xf32, #tpu.memory_space<hbm>> -> memref<2560xf32, #tpu.memory_space<hbm>>
      %dma_wait3A_279 = tpu.memref_slice %arg5[%add3A_206] : memref<327680xf32, #tpu.memory_space<hbm>> -> memref<2560xf32, #tpu.memory_space<hbm>>
      %dma_wait3A_280 = arith.constant 5120 : i32
      %dma_wait3A_281 = tpu.memref_slice %run_scoped3A_1[%dma_wait3A_280] : memref<10240xf32, #tpu.memory_space<vmem>> -> memref<2560xf32, #tpu.memory_space<vmem>>
      tpu.wait_dma2 semaphore(%run_scoped3A_9 : memref<!tpu.dma_semaphore, #tpu.memory_space<semaphore_mem>>) src(%dma_wait3A_281 : memref<2560xf32, #tpu.memory_space<vmem>>) dst(%dma_wait3A_279 : memref<2560xf32, #tpu.memory_space<hbm>>)
      %dma_wait3A_282 = arith.constant 7680 : i32
      %dma_wait3A_283 = tpu.memref_slice %run_scoped3A_0[%dma_wait3A_282] : memref<10240xf32, #tpu.memory_space<vmem>> -> memref<2560xf32, #tpu.memory_space<vmem>>
      %dma_wait3A_284 = tpu.memref_slice %arg7[%add3A_231] : memref<327680xf32, #tpu.memory_space<hbm>> -> memref<2560xf32, #tpu.memory_space<hbm>>
      %dma_wait3A_285 = tpu.memref_slice %arg7[%add3A_231] : memref<327680xf32, #tpu.memory_space<hbm>> -> memref<2560xf32, #tpu.memory_space<hbm>>
      %dma_wait3A_286 = arith.constant 7680 : i32
      %dma_wait3A_287 = tpu.memref_slice %run_scoped3A_0[%dma_wait3A_286] : memref<10240xf32, #tpu.memory_space<vmem>> -> memref<2560xf32, #tpu.memory_space<vmem>>
      tpu.wait_dma2 semaphore(%run_scoped3A_8 : memref<!tpu.dma_semaphore, #tpu.memory_space<semaphore_mem>>) src(%dma_wait3A_287 : memref<2560xf32, #tpu.memory_space<vmem>>) dst(%dma_wait3A_285 : memref<2560xf32, #tpu.memory_space<hbm>>)
      %dma_wait3A_288 = arith.constant 7680 : i32
      %dma_wait3A_289 = tpu.memref_slice %run_scoped3A_1[%dma_wait3A_288] : memref<10240xf32, #tpu.memory_space<vmem>> -> memref<2560xf32, #tpu.memory_space<vmem>>
      %dma_wait3A_290 = tpu.memref_slice %arg5[%add3A_231] : memref<327680xf32, #tpu.memory_space<hbm>> -> memref<2560xf32, #tpu.memory_space<hbm>>
      %dma_wait3A_291 = tpu.memref_slice %arg5[%add3A_231] : memref<327680xf32, #tpu.memory_space<hbm>> -> memref<2560xf32, #tpu.memory_space<hbm>>
      %dma_wait3A_292 = arith.constant 7680 : i32
      %dma_wait3A_293 = tpu.memref_slice %run_scoped3A_1[%dma_wait3A_292] : memref<10240xf32, #tpu.memory_space<vmem>> -> memref<2560xf32, #tpu.memory_space<vmem>>
      tpu.wait_dma2 semaphore(%run_scoped3A_9 : memref<!tpu.dma_semaphore, #tpu.memory_space<semaphore_mem>>) src(%dma_wait3A_293 : memref<2560xf32, #tpu.memory_space<vmem>>) dst(%dma_wait3A_291 : memref<2560xf32, #tpu.memory_space<hbm>>)
      tpu.yield
    }) : () -> ()
    return
  }
}

</mosaic_0001>

<sc_bundles>
// kernel: kernel.3.cloned.1.call-start
scs
__scs_entry_jumppad:
0x0: {  	(pc) =	sbr.rel $0x88, $3  }
0x1: {  	(tag) =	ssettag $0x0;
	lr =	simm.s32 $0x1  }
0x2: {  	[smem:$0x3F9E] =	sst lr;
	_ =	strace $0xD0000000  }
0x3: {  	_ = 	snop  }
0x4: {  	_ = 	snop  }
0x5: {  	_ = 	snop  }
0x6: {  	_ = 	snop  }
0x7: {  	_ = 	snop  }
__scs_overlays_trampoline_lowered:
0x8: {  	[smem:$0x3FAD] =	sst s0  }
0x9: {  	[smem:$0x3FAE] =	sst s1  }
0xa: {  	[smem:$0x3FAF] =	sst s2  }
0xb: {  	[smem:$0x3FB0] =	sst s3  }
0xc: {  	[smem:$0x3FB1] =	sst s4  }
0xd: {  	[smem:$0x3FB2] =	sst s5  }
0xe: {  	[smem:$0x3FB3] =	sst s6  }
0xf: {  	[smem:$0x3FB4] =	sst s7  }
0x10: {  	[smem:$0x3FB5] =	sst s8  }
0x11: {  	[smem:$0x3FB6] =	sst s9;
	s0 =	simm.s32 @!p0 $0x0  }
0x12: {  	s1 =	sld [smem:$0x3F9C];
	s0 =	simm.s32 @p0 $0x1  }
0x13: {  	[smem:$0x3FB7] =	sst s0;
	s0 =	simm.s32 @!p1 $0x0  }
0x14: {  	s2 =	sld [smem:$0x3F9B];
	s0 =	simm.s32 @p1 $0x1  }
0x15: {  	[smem:$0x3FB8] =	sst s0;
	s0 =	simm.s32 @!p2 $0x0  }
0x16: {  	s3 =	sld [smem:$0x3FDB];
	s0 =	simm.s32 @p2 $0x1  }
0x17: {  	s4 =	simm.s32 $0x1BF5;
	[smem:$0x3FBA] =	sst s0  }
0x18: {  	s0 =	sld [smem:$0x3F9D];
	_ =	swait.ge [sflag:s4], $0x0  }
0x19: {  	s7 =	sld [smem:$0x3F9E]  }
0x1a: {  	s8 =	sadd.s32 $0xFFFFE003, lr  }
0x1b: {  	s9 =	sadd.s32 $0xFFFFFEF7, lr;
	s5 =	simm.s32 $0xFFFFFFFF;
	p2 =	slt.u32 s8, $0xFFFFF086  }
0x1c: {  	p1 =	slt.u32 s9, $0xF7A;
	s5 =	simm.s32 @!p2 $0x0  }
0x1d: {  	s5 =	simm.s32 @p1 $0x1;
	p0 =	seq.s32 s7, s2  }
0x1e: {  	s7 =	smul.u32 @!p0 $0xF7A, s2;
	p2 =	seq.s32 @!p0 s5, $0x0  }
0x1f: {  	s9 =	smul.u32 $0xF7A, s1;
	s8 =	simm.s32 @!p0 $0x1BF5;
	p2 =	por !p2, p0  }
0x20: {  	[sflag:s8] =	ssyncset.s32 @!p0 $0xFFFFF086;
	s6 =	sadd.s32 @!p0 s3, s7;
	s7 =	simm.s32 @!p0 $0x108  }
0x21: {  	s3 =	sadd.s32 s3, s9;
	s6 =	sadd.s32 @!p0 $0x88, s6;
	s7 =	simm.s32 @p2 $0x1082  }
0x22: {  	[simem:s7], [sflag:s8] =	dma.local @!p0 [hbm:s6], $0xF7A  }
0x23: {  	s9 =	sor.u32 $0xD0000000, s2;
	s6 =	simm.s32 $0x108;
	_ =	swait.ge @!p0 [sflag:s8], $0x0  }
0x24: {  	s3 =	sadd.s32 $0x88, s3;
	s6 =	simm.s32 @!p1 $0x1082;
	[sflag:s4] =	ssyncset.s32 $0xFFFFF086  }
0x25: {  	[simem:s6], [sflag:s4] =	dma.local [hbm:s3], $0xF7A  }
0x26: {  	[smem:$0x3F9E] =	sst s1;
	(tag) =	ssettag s2;
	_ =	strace s9  }
0x27: {  	s1 =	sld [smem:$0x3FAE]  }
0x28: {  	s2 =	sld [smem:$0x3FAF]  }
0x29: {  	s4 =	sld [smem:$0x3FB1]  }
0x2a: {  	p0 =	seq.s32 s5, $0x0;
	s5 =	sld [smem:$0x3FB2]  }
0x2b: {  	s6 =	sld [smem:$0x3FB3]  }
0x2c: {  	s7 =	sld [smem:$0x3FB4]  }
0x2d: {  	s3 =	simm.s32 $0x108;
	s8 =	sld [smem:$0x3FB5]  }
0x2e: {  	s3 =	simm.s32 @!p0 $0x1082;
	s9 =	sld [smem:$0x3FB6]  }
0x2f: {  	lr =	sadd.s32 s0, s3;
	s0 =	sld [smem:$0x3FAD]  }
0x30: {  	s3 =	sld [smem:$0x3FB0]  }
0x31: {  	[smem:$0x3FB9] =	sst s10  }
0x32: {  	s10 =	sld [smem:$0x3FB7];
	_ =	sdelay $0x3  }
0x33: {  	p0 =	seq.s32 s10, $0x1;
	s10 =	sld [smem:$0x3FB9];
	_ =	sdelay $0x3  }
0x34: {  	[smem:$0x3FB9] =	sst s10  }
0x35: {  	s10 =	sld [smem:$0x3FB8];
	_ =	sdelay $0x3  }
0x36: {  	p1 =	seq.s32 s10, $0x1;
	s10 =	sld [smem:$0x3FB9];
	_ =	sdelay $0x3  }
0x37: {  	[smem:$0x3FB9] =	sst s10  }
0x38: {  	s10 =	sld [smem:$0x3FBA]  }
0x39: {  	_ = 	snop;
	(pc) =	sbr.ind lr, $3  }
0x3a: {  	_ = 	snop  }
0x3b: {  	_ = 	snop  }
0x3c: {  	p2 =	seq.s32 s10, $0x1;
	s10 =	sld [smem:$0x3FB9]  }
0x3d: {  	_ =	shalt  }
0x3e: {  	_ =	shalt  }
0x3f: {  	_ =	shalt  }
0x40: {  	_ =	shalt  }
0x41: {  	_ =	shalt  }
0x42: {  	_ =	shalt  }
0x43: {  	_ =	shalt  }
0x44: {  	_ =	shalt  }
0x45: {  	_ =	shalt  }
0x46: {  	_ =	shalt  }
0x47: {  	_ =	shalt  }
0x48: {  	_ =	shalt  }
0x49: {  	_ =	shalt  }
0x4a: {  	_ =	shalt  }
0x4b: {  	_ =	shalt  }
0x4c: {  	_ =	shalt  }
0x4d: {  	_ =	shalt  }
0x4e: {  	_ =	shalt  }
0x4f: {  	_ =	shalt  }
0x50: {  	_ =	shalt  }
0x51: {  	_ =	shalt  }
0x52: {  	_ =	shalt  }
0x53: {  	_ =	shalt  }
0x54: {  	_ =	shalt  }
0x55: {  	_ =	shalt  }
0x56: {  	_ =	shalt  }
0x57: {  	_ =	shalt  }
0x58: {  	_ =	shalt  }
0x59: {  	_ =	shalt  }
0x5a: {  	_ =	shalt  }
0x5b: {  	_ =	shalt  }
0x5c: {  	_ =	shalt  }
0x5d: {  	_ =	shalt  }
0x5e: {  	_ =	shalt  }
0x5f: {  	_ =	shalt  }
0x60: {  	_ =	shalt  }
0x61: {  	_ =	shalt  }
0x62: {  	_ =	shalt  }
0x63: {  	_ =	shalt  }
0x64: {  	_ =	shalt  }
0x65: {  	_ =	shalt  }
0x66: {  	_ =	shalt  }
0x67: {  	_ =	shalt  }
0x68: {  	_ =	shalt  }
0x69: {  	_ =	shalt  }
0x6a: {  	_ =	shalt  }
0x6b: {  	_ =	shalt  }
0x6c: {  	_ =	shalt  }
0x6d: {  	_ =	shalt  }
0x6e: {  	_ =	shalt  }
0x6f: {  	_ =	shalt  }
0x70: {  	_ =	shalt  }
0x71: {  	_ =	shalt  }
0x72: {  	_ =	shalt  }
0x73: {  	_ =	shalt  }
0x74: {  	_ =	shalt  }
0x75: {  	_ =	shalt  }
0x76: {  	_ =	shalt  }
0x77: {  	_ =	shalt  }
0x78: {  	_ =	shalt  }
0x79: {  	_ =	shalt  }
0x7a: {  	_ =	shalt  }
0x7b: {  	_ =	shalt  }
0x7c: {  	_ =	shalt  }
0x7d: {  	_ =	shalt  }
0x7e: {  	_ =	shalt  }
0x7f: {  	_ =	shalt  }
0x80: {  	_ =	shalt  }
0x81: {  	_ =	shalt  }
0x82: {  	_ =	shalt  }
0x83: {  	_ =	shalt  }
0x84: {  	_ =	shalt  }
0x85: {  	_ =	shalt  }
0x86: {  	_ =	shalt  }
0x87: {  	_ =	shalt  }
.Lfunc_end0:
.L_simem_size_0:
called_computation_lowered:
.L_overlay_start_0:
0x88: {  	s2 =	sld [smem:$0x3FD9]  }
0x89: {  	s3 =	sld [smem:$0x3FFE];
	_ =	sdelay $0x1  }
0x8a: {  	s1 =	srdreg.scid  }
0x8b: {  	s0 =	sand.u32 $0x1, s1  }
0x8c: {  	s19 =	sshll.u32 s0, $0xA;
	s2 =	sadd.s32 s3, s2  }
0x8d: {  	s2 =	sadd.s32 s2, s19  }
0x8e: {  	[smem:$0x3FC5] =	sst s2  }
0x8f: {  	_ = 	snop  }
0x90: {  	s2 =	sld [smem:$0x3FD0];
	_ =	sdelay $0x2  }
0x91: {  	s4 =	simm.s32 $0xB;
	s5 =	simm.s32 $0x10;
	s20 =	sld [smem:$0x3FC7]  }
0x92: {  	[smem:s5], [sflag:s4] =	dma.local [hbm:s2], $0x1  }
0x93: {  	_ =	swait.eq [sflag:s4], $0x1  }
0x94: {  	[sflag:s4] =	ssyncset.done $0x0  }
0x95: {  	s21 =	sld [smem:$0x11];
	[sflag:s4] =	ssyncadd.s32 $0xFFFFFFFF  }
0x96: {  	s22 =	sld [smem:$0x12];
	(tm) =	ssettm $0x1  }
0x97: {  	s23 =	sld [smem:$0x3FFB];
	_ =	sdelay $0x3  }
0x98: {  	_ =	strace s23  }
0x99: {  	s2 =	sld [smem:$0x3FFC];
	_ =	sdelay $0x3  }
0x9a: {  	_ =	strace s2  }
0x9b: {  	s2 =	sld [smem:$0x3FFD];
	_ =	sdelay $0x3  }
0x9c: {  	_ =	strace s2  }
0x9d: {  	_ =	strace $0x8FFFFFFF  }
0x9e: {  	s24 =	sld [smem:$0x3FDB];
	_ =	sdelay $0x1  }
0x9f: {  	s6 =	simm.s32 $_scs_section_size  }
0xa0: {  	s7 =	simm.s32 $_size__tile_overlayer_lowered;
	s8 =	simm.s32 $_tile_overlayer_lowered  }
0xa1: {  	s9 =	simm.s32 $0x1BFF;
	s25 =	sshll.u32 s8, $0x1;
	s6 =	sadd.s32 s6, s24  }
0xa2: {  	s7 =	sshll.u32 s7, $0x1;
	s2 =	simm.s32 $0x0;
	s8 =	sadd.s32 s25, s6  }
0xa3: {  	[timem:s2], [sflag:s9] =	dma.local [hbm:s8], s7  }
0xa4: {  	_ =	swait.ge [sflag:s9], s7  }
0xa5: {  	s7 =	ssub.s32 $0x0, s7;
	[sflag:s9] =	ssyncset.done $0x0  }
0xa6: {  	[sflag:s9] =	ssyncadd.s32 s7;
	_ =	sdelay $0x1  }
0xa7: {  	s26 =	simm.s32 $0x1B8B  }
0xa8: {  	_ =	swait.ge [sflag:s26], $0x1  }
0xa9: {  	[sflag:s26] =	ssyncset.done $0x0  }
0xaa: {  	s29 =	simm.s32 $0x1B8E;
	s28 =	sld [smem:$0x3FFE];
	[sflag:s26] =	ssyncadd.s32 $0xFFFFFFFF  }
0xab: {  	s30 =	simm.s32 $execute0_lowered;
	[smem:$0x3FD2] =	sst s29  }
0xac: {  	s8 =	sshll.u32 s30, $0x1;
	_ =	strace $0x80000046;
	[dreg:$0x1] =	wrdreg $0xFFFFFFFF  }
0xad: {  	s31 =	simm.s32 $_size_execute0_lowered;
	s6 =	sadd.s32 s6, s8;
	[dreg:$0x0] =	wrdreg $0x0  }
0xae: {  	s8 =	sshll.u32 s31, $0x1;
	[dreg:$0x2] =	wrdreg s6  }
0xaf: {  	[dreg:$0x3] =	wrdreg s8  }
0xb0: {  	[dreg:$0x4] =	wrdreg $0xC0  }
0xb1: {  	_ =	task [dreg:s2], $0x5FFFF  }
0xb2: {  	[dreg:$0x1] =	wrdreg $0xFFFFFFFF  }
0xb3: {  	[dreg:$0x0] =	wrdreg $0x60  }
0xb4: {  	[dreg:$0x2] =	wrdreg s22  }
0xb5: {  	[dreg:$0x3] =	wrdreg s20  }
0xb6: {  	[dreg:$0x4] =	wrdreg s28  }
0xb7: {  	[dreg:$0x5] =	wrdreg s21  }
0xb8: {  	[dreg:$0x6] =	wrdreg $0x0  }
0xb9: {  	[dreg:$0x7] =	wrdreg $0x9  }
0xba: {  	s10 =	simm.s32 $0xA;
	s9 =	sadd.s32 $0x600, s28;
	_ =	task.clear_ibuf [dreg:s2], $0x8FFFF  }
0xbb: {  	[spmem:s2], [sflag:s10] =	dma.local [hbm:s9], $0x1E850  }
0xbc: {  	_ =	swait.ge [sflag:s10], $0x1E850  }
0xbd: {  	[sflag:s10] =	ssyncset.done $0x0  }
0xbe: {  	[sflag:s10] =	ssyncadd.s32 $0xFFFE17B0  }
0xbf: {  	s11 =	sld [smem:$0x0];
	_ =	sdelay $0x2  }
0xc0: {  	s12 =	sshrl.u32 s1, $0x2  }
0xc1: {  	s13 =	sand.u32 $0x3, s1;
	s3 =	sadd.s32 s12, s11  }
0xc2: {  	s5 =	sshll.u32 s13, $0xE;
	s3 =	sshll.u32 s3, $0x11  }
0xc3: {  	s3 =	sor.u32 s3, s5  }
0xc4: {  	s5 =	sor.u32 $0x11C01, s3  }
0xc5: {  	s14 =	sor.u32 $0x11C41, s3;
	[sflag:s5] =	ssyncadd.remote.s32 $0x1  }
0xc6: {  	s15 =	sor.u32 $0x11C81, s3;
	[sflag:s14] =	ssyncadd.remote.s32 $0x1  }
0xc7: {  	s16 =	sor.u32 $0x11CC1, s3;
	[sflag:s15] =	ssyncadd.remote.s32 $0x1  }
0xc8: {  	s17 =	sor.u32 $0x11D01, s3;
	[sflag:s16] =	ssyncadd.remote.s32 $0x1  }
0xc9: {  	s18 =	sor.u32 $0x11D41, s3;
	[sflag:s17] =	ssyncadd.remote.s32 $0x1  }
0xca: {  	s19 =	sor.u32 $0x11D81, s3;
	[sflag:s18] =	ssyncadd.remote.s32 $0x1  }
0xcb: {  	s20 =	sor.u32 $0x11DC1, s3;
	[sflag:s19] =	ssyncadd.remote.s32 $0x1  }
0xcc: {  	s21 =	sor.u32 $0x11E01, s3;
	[sflag:s20] =	ssyncadd.remote.s32 $0x1  }
0xcd: {  	s22 =	sor.u32 $0x11E41, s3;
	[sflag:s21] =	ssyncadd.remote.s32 $0x1  }
0xce: {  	s23 =	sor.u32 $0x11E81, s3;
	[sflag:s22] =	ssyncadd.remote.s32 $0x1  }
0xcf: {  	s24 =	sor.u32 $0x11EC1, s3;
	[sflag:s23] =	ssyncadd.remote.s32 $0x1  }
0xd0: {  	s25 =	sor.u32 $0x11F01, s3;
	[sflag:s24] =	ssyncadd.remote.s32 $0x1  }
0xd1: {  	s26 =	sor.u32 $0x11F41, s3;
	[sflag:s25] =	ssyncadd.remote.s32 $0x1  }
0xd2: {  	s28 =	sor.u32 $0x11F81, s3;
	[sflag:s26] =	ssyncadd.remote.s32 $0x1  }
0xd3: {  	s3 =	sor.u32 $0x11FC1, s3;
	[sflag:s28] =	ssyncadd.remote.s32 $0x1  }
0xd4: {  	[sflag:s3] =	ssyncadd.remote.s32 $0x1  }
0xd5: {  	_ =	strace $0x90000046  }
0xd6: {  	s29 =	simm.s32 $0x9;
	_ =	strace $0x80000048  }
0xd7: {  	_ =	swait.ge [sflag:s29], $0x1  }
0xd8: {  	[sflag:s29] =	ssyncadd.s32 $0xFFFFFFFF  }
0xd9: {  	_ =	strace $0x90000048  }
0xda: {  	_ =	sfence  }
0xdb: {  	s30 =	sld [smem:$0x0];
	_ =	sdelay $0x2  }
0xdc: {  	s1 =	sshll.u32 s1, $0xD  }
0xdd: {  	s1 =	sand.u32 $0x4000, s1;
	s3 =	sadd.s32 s12, s30  }
0xde: {  	s0 =	sor.u32 s1, s0;
	s31 =	sshll.u32 s3, $0x11  }
0xdf: {  	s0 =	sor.u32 s31, s0  }
0xe0: {  	s0 =	sadd.s32 $0x8F2B, s0  }
0xe1: {  	[sflag:s0] =	ssyncadd.remote.s32 $0x1  }
0xe2: {  	_ =	sfence.sel $0xFFFF  }
0xe3: {  	[dreg:$0x0] =	wrdreg $0xFFFFFFFF;
	(pc) =	sbr.abs _section_cstart, $3  }
0xe4: {  	[dreg:$0x1] =	wrdreg $0xFFFFFFFF  }
0xe5: {  	_ =	task.clear_ibuf [dreg:s2], $0x2FFFF;
	_ =	strace $0x9FFFFFFF  }
0xe6: {  	(tm) =	ssettm $0x7FFFFFFF  }
0xe7: {  	_ =	shalt  }
tec
execute0_lowered:
.L_overlay_start_1:
0x0: {  	(tag) =	ssettag $0x1  }
0x1: {  	s0 =	rddreg [dreg:$0x0]  }
0x2: {  	s1 =	rddreg [dreg:$0x2];
	s2 =	srdreg.scid  }
0x3: {  	s18 =	stileid.u32;
	s4 =	rddreg [dreg:$0x4];
	s5 =	simm.s32 $0x0  }
0x4: {  	s20 =	simm.s32 $0x1;
	s21 =	simm.s32 $0xA00;
	s24 =	simm.s32 $0x11C28  }
0x5: {  	s29 =	simm.s32 $0x13A28;
	s30 =	simm.s32 $0x2;
	s28 =	simm.s32 $0x7  }
0x6: {  	s31 =	simm.s32 $0x0;
	s2 =	sand.u32 $0x1, s2;
	s3 =	sshll.u32 s18, $0x1  }
0x7: {  	[smem:$0x7FF] =	sst s5;
	s14 =	sadd.s32 $0x1F000, s1;
	s1 =	sadd.s32 $0x29000, s1  }
0x8: {  	s16 =	smul.u32 $0x5000, s18;
	p0 =	slt.u32 s18, $0xC;
	p1 =	slt.u32 s18, $0xD  }
0x9: {  	s3 =	sor.u32 s2, s3;
	s7 =	ssub.s32 $0x2, s2;
	s2 =	smul.u32 $0x2800, s2  }
0xa: {  	s18 =	simm.s32 $0x8;
	s6 =	smul.u32 $0x2800, s3;
	s8 =	sshrl.u32 s7, $0x1  }
0xb: {  	_ =	strace $0x80000047;
	p2 =	sne.s32 s3, $0x0;
	s15 =	ssub.s32 s7, s8  }
0xc: {  	s16 =	sadd.s32 s2, s16;
	s2 =	simm.s32 $0x3;
	s17 =	sshrl.u32 s6, $0xE  }
0xd: {  	s6 =	sshrl.u32 s6, $0x3;
	s15 =	smax.u32 s15, $0x1;
	s9 =	sadd.s32 $0x1, s17  }
0xe: {  	s0 =	sadd.s32 s0, s6;
	s25 =	sadd.s32 s1, s6;
	s10 =	sadd.s32 $0x140, s6  }
0xf: {  	s26 =	sadd.s32 s14, s6;
	s12 =	sadd.s32 $0x280, s6;
	[dreg:$0x6] =	wrdreg s0  }
0x10: {  	s6 =	sadd.s32 $0x3C0, s6;
	s23 =	smin.u32 s9, $0x13;
	[dreg:$0x7] =	wrdreg s25  }
0x11: {  	v5 =	vlaneseq.u32;
	v1 =	vmov s17;
	s19 =	sshll.u32 s9, $0xE;
	[dreg:$0x8] =	wrdreg s26;
	s9 =	sadd.s32 s1, s10;
	v3 =	vmov s23  }
0x12: {  	s10 =	sadd.s32 s14, s10;
	s11 =	sadd.s32 s1, s12;
	s12 =	sadd.s32 s14, s12;
	v2 =	vmax.u32 v1, $0x4;
	v1 =	vand.u32 $0xF, v1;
	v4 =	vmax.u32 v3, $0x4  }
0x13: {  	s13 =	sadd.s32 s1, s6;
	s14 =	sadd.s32 s14, s6;
	s26 =	simm.s32 $0x13028;
	v0 =	vmov s19;
	v2 =	vadd.s32 $0xC, v2;
	v4 =	vadd.s32 $0xC, v4  }
0x14: {  	s1 =	simm.s32 $0x4;
	s25 =	simm.s32 $0x6;
	s19 =	simm.s32 $0x5;
	v2 =	vand.u32 $0xF, v2;
	v3 =	vand.u32 $0xF, v3;
	v4 =	vand.u32 $0xF, v4  }
.LBB2_1:
0x15: {  	s0 =	rddreg [dreg:$0x6];
	s3 =	simm.s32 $0xF428  }
0x16: {  	[tilespmem:s3], [sflag:$0x8] =	stream.linear.gather [hbm4b:s0+s5], $0x2800, $0x38;
	[tilespmem:$0x16C68] =	vst v63  }
0x17: {  	_ =	swait.ge [sflag:s18], $0x2800  }
0x18: {  	[sflag:s18] =	ssyncset.done $0x0  }
0x19: {  	[sflag:s18] =	ssyncadd.s32 $0xFFFFD800  }
0x1a: {  	s6 =	simm.s32 $0x16C28;
	s23 =	rddreg [dreg:$0x1]  }
0x1b: {  	[tilespmem:s6], [sflag:$0x8] =	stream.linear.gather [hbm4b:s23+s5], $0x18, $0x38;
	[tilespmem:$0x16C68] =	vst v63  }
0x1c: {  	_ =	swait.ge [sflag:s18], $0x18  }
0x1d: {  	[sflag:s18] =	ssyncset.done $0x0  }
0x1e: {  	[sflag:s18] =	ssyncadd.s32 $0xFFFFFFE8  }
0x1f: {  	v6 =	vld [tilespmem:$0x16C28];
	_ =	sdelay $0x4  }
0x20: {  	v6 =	vsub.f32 $0.0e+00, v6;
	_ =	sdelay $0x1  }
0x21: {  	v6 =	vmul.f32 $1.442695020e+00, v6;
	_ =	sdelay $0x1  }
0x22: {  	(erf) = vpow2.f32 v6;
	_ =	sdelay $0x3  }
0x23: {  	v6 =	vld [tilespmem:$0x16C2C];
	_ =	sdelay $0x4  }
0x24: {  	v6 =	vsub.f32 $0.0e+00, v6;
	v7 =	vpop (erf)  }
0x25: {  	v7 =	vadd.f32 $1.000000000e+00, v7  }
0x26: {  	v6 =	vmul.f32 $1.442695020e+00, v6  }
0x27: {  	(erf) = vrcp.f32 v7  }
0x28: {  	(erf) = vpow2.f32 v6;
	_ =	sdelay $0x7  }
0x29: {  	v6 =	vpop (erf)  }
0x2a: {  	v7 =	vpop (erf)  }
0x2b: {  	v7 =	vadd.f32 $1.000000000e+00, v7;
	_ =	sdelay $0x1  }
0x2c: {  	(erf) = vrcp.f32 v7;
	_ =	sdelay $0x8  }
0x2d: {  	[tilespmem:$0x16C40] =	vst v6;
	v7 =	vpop (erf)  }
0x2e: {  	[tilespmem:$0x16C44] =	vst v7  }
0x2f: {  	_ =	swait.ge [sflag:s20], $0x1  }
0x30: {  	[sflag:s20] =	ssyncset.done $0x0  }
0x31: {  	[sflag:s20] =	ssyncadd.s32 $0xFFFFFFFF  }
0x32: {  	[tilespmem:s24], [sflag:$0x2] =	stream.indirect.gather [spmem:s4], $0x1, s3, s21, $0xb8;
	[tilespmem:$0x16C68] =	vst v63  }
0x33: {  	s7 =	simm.s32 $0x12628;
	s6 =	simm.s32 $0xFE28  }
0x34: {  	[tilespmem:s7], [sflag:$0x3] =	stream.indirect.gather [spmem:s4], $0x1, s6, s21, $0xb8;
	[tilespmem:$0x16C68] =	vst v63  }
0x35: {  	s8 =	simm.s32 $0x10828  }
0x36: {  	[tilespmem:s26], [sflag:$0x4] =	stream.indirect.gather [spmem:s4], $0x1, s8, s21, $0xb8;
	[tilespmem:$0x16C68] =	vst v63  }
0x37: {  	s17 =	simm.s32 $0x11228  }
0x38: {  	[tilespmem:s29], [sflag:$0x5] =	stream.indirect.gather [spmem:s4], $0x1, s17, s21, $0xb8;
	[tilespmem:$0x16C68] =	vst v63  }
0x39: {  	_ =	swait.ge [sflag:s30], $0xA00  }
0x3a: {  	[sflag:s30] =	ssyncset.done $0x0  }
0x3b: {  	s22 =	simm.s32 $0x11C48;
	[sflag:s30] =	ssyncadd.s32 $0xFFFFF600  }
0x3c: {  	v8 =	vld [tilespmem:s22+$0xFFFFFFE0];
	_ =	sdelay $0x1  }
0x3d: {  	v9 =	vld [tilespmem:s22+$0x0];
	_ =	sdelay $0x2  }
0x3e: {  	v8 =	vsub.f32 $0.0e+00, v8  }
0x3f: {  	v10 =	vld [tilespmem:s22+$0x10]  }
0x40: {  	v11 =	vld [tilespmem:s22+$0x20];
	v9 =	vsub.f32 $0.0e+00, v9;
	v8 =	vmul.f32 $1.442695020e+00, v8;
	_ =	sdelay $0x1  }
0x41: {  	v9 =	vmul.f32 $1.442695020e+00, v9;
	(erf) = vpow2.f32 v8;
	v8 =	vld [tilespmem:s22+$0xFFFFFFF0];
	_ =	sdelay $0x1  }
0x42: {  	v10 =	vsub.f32 $0.0e+00, v10;
	(erf) = vpow2.f32 v9  }
0x43: {  	v11 =	vsub.f32 $0.0e+00, v11  }
0x44: {  	v10 =	vmul.f32 $1.442695020e+00, v10  }
0x45: {  	v9 =	vmul.f32 $1.442695020e+00, v11;
	v8 =	vsub.f32 $0.0e+00, v8  }
0x46: {  	(erf) = vpow2.f32 v10  }
0x47: {  	(erf) = vpow2.f32 v9;
	v8 =	vmul.f32 $1.442695020e+00, v8;
	_ =	sdelay $0x2  }
0x48: {  	v9 =	vpop (erf)  }
0x49: {  	(erf) = vpow2.f32 v8;
	v9 =	vadd.f32 $1.000000000e+00, v9;
	v8 =	vpop (erf)  }
0x4a: {  	v8 =	vadd.f32 $1.000000000e+00, v8  }
0x4b: {  	(erf) = vrcp.f32 v9;
	_ =	sdelay $0x1  }
0x4c: {  	v9 =	vpop (erf);
	(erf) = vrcp.f32 v8  }
0x4d: {  	v8 =	vpop (erf)  }
0x4e: {  	v8 =	vadd.f32 $1.000000000e+00, v8  }
0x4f: {  	v9 =	vadd.f32 $1.000000000e+00, v9;
	_ =	sdelay $0x1  }
0x50: {  	(erf) = vrcp.f32 v9  }
0x51: {  	(erf) = vrcp.f32 v8;
	v8 =	vpop (erf)  }
0x52: {  	v9 =	vpop (erf)  }
0x53: {  	s0 =	simm.s32 $0x11C98;
	[tilespmem:s22+$0xFFFFFFE0] =	vst v9  }
0x54: {  	v10 =	vpop (erf);
	v11 =	vld [tilespmem:s0+$0xFFFFFFE0]  }
0x55: {  	[tilespmem:s22+$0x0] =	vst v10  }
0x56: {  	v13 =	vld [tilespmem:s0+$0x0];
	_ =	sdelay $0x2  }
0x57: {  	v12 =	vpop (erf);
	v11 =	vsub.f32 $0.0e+00, v11  }
0x58: {  	v8 =	vadd.f32 $1.000000000e+00, v8;
	[tilespmem:s22+$0x10] =	vst v12;
	v14 =	vpop (erf)  }
0x59: {  	v15 =	vld [tilespmem:s0+$0x10];
	[tilespmem:s22+$0x20] =	vst v14;
	v13 =	vsub.f32 $0.0e+00, v13;
	v11 =	vmul.f32 $1.442695020e+00, v11  }
0x5a: {  	(erf) = vrcp.f32 v8;
	v16 =	vld [tilespmem:s0+$0x20]  }
0x5b: {  	v8 =	vld [tilespmem:s0+$0xFFFFFFF0];
	v13 =	vmul.f32 $1.442695020e+00, v13;
	(erf) = vpow2.f32 v11;
	_ =	sdelay $0x1  }
0x5c: {  	(erf) = vpow2.f32 v13  }
0x5d: {  	v15 =	vsub.f32 $0.0e+00, v15  }
0x5e: {  	v11 =	vsub.f32 $0.0e+00, v16  }
0x5f: {  	v13 =	vperm.xlane v7, v2;
	v15 =	vmul.f32 $1.442695020e+00, v15;
	v8 =	vsub.f32 $0.0e+00, v8  }
0x60: {  	v7 =	vperm.xlane v7, v4;
	v11 =	vmul.f32 $1.442695020e+00, v11  }
0x61: {  	(erf) = vpow2.f32 v15;
	v8 =	vmul.f32 $1.442695020e+00, v8  }
0x62: {  	v61 =	vpop (erf);
	(erf) = vpow2.f32 v11;
	v11 =	vperm.xlane v6, v1  }
0x63: {  	s24 =	sadd.s32 $0x0, s16;
	v15 =	vperm.xlane v6, v3;
	(erf) = vpow2.f32 v8;
	v6 =	vpop (erf)  }
0x64: {  	v8 =	vadd.f32 $1.000000000e+00, v6;
	v6 =	vpsel p1, v11, v13;
	v11 =	vor.u32 s24, v5  }
0x65: {  	s23 =	sadd.s32 $0x20, s24;
	v7 =	vpsel p0, v15, v7;
	v13 =	vpop (erf);
	vm0 =	vlt.u32 v11, v0  }
0x66: {  	s17 =	sadd.s32 $0x10, s24;
	v11 =	vadd.f32 $1.000000000e+00, v13;
	v13 =	vor.u32 s23, v5;
	(erf) = vrcp.f32 v8  }
0x67: {  	v8 =	vor.u32 s17, v5;
	v15 =	vsel vm0, v6, v7;
	vm0 =	vlt.u32 v13, v0  }
0x68: {  	v63 =	vsel vm0, v6, v7;
	vm0 =	vlt.u32 v8, v0  }
0x69: {  	v8 =	vmul.f32 v10, v63;
	v10 =	vsel vm0, v6, v7  }
0x6a: {  	v17 =	vpop (erf);
	v9 =	vmul.f32 v9, v15  }
0x6b: {  	s23 =	simm.s32 $0x14448;
	v15 =	vadd.f32 $1.000000000e+00, v17;
	v62 =	vpop (erf)  }
0x6c: {  	(erf) = vrcp.f32 v11;
	[tilespmem:s23+$0xFFFFFFE0] =	vst v9;
	v9 =	vmul.f32 v61, v10;
	v13 =	vadd.f32 $1.000000000e+00, v62;
	v10 =	vpop (erf)  }
0x6d: {  	s7 =	sadd.s32 $0x30, s24;
	(erf) = vrcp.f32 v15;
	[tilespmem:s23+$0x0] =	vst v8;
	v8 =	vadd.f32 $1.000000000e+00, v10  }
0x6e: {  	s6 =	sadd.s32 $0x40, s24;
	v11 =	vor.u32 s7, v5;
	(erf) = vrcp.f32 v13  }
0x6f: {  	vm0 =	vlt.u32 v11, v0;
	v13 =	vor.u32 s6, v5;
	(erf) = vrcp.f32 v8  }
0x70: {  	s8 =	sadd.s32 $0x50, s16;
	v11 =	vsel vm0, v6, v7;
	vm0 =	vlt.u32 v13, v0  }
0x71: {  	s24 =	sadd.s32 $0x20, s8;
	[tilespmem:s23+$0xFFFFFFF0] =	vst v9;
	v9 =	vor.u32 s8, v5;
	v10 =	vmul.f32 v12, v11;
	v11 =	vsel vm0, v6, v7  }
0x72: {  	[tilespmem:s22+$0xFFFFFFF0] =	vst v61;
	s17 =	sadd.s32 $0x10, s8;
	s6 =	sadd.s32 $0x40, s8;
	vm0 =	vlt.u32 v9, v0;
	v9 =	vor.u32 s24, v5;
	v12 =	vmul.f32 v14, v11  }
0x73: {  	s22 =	sadd.s32 $0x30, s8;
	v13 =	vor.u32 s17, v5;
	v15 =	vor.u32 s6, v5;
	[tilespmem:s23+$0x10] =	vst v10;
	v8 =	vpop (erf)  }
0x74: {  	v14 =	vor.u32 s22, v5;
	v10 =	vsel vm0, v6, v7;
	vm0 =	vlt.u32 v9, v0;
	[tilespmem:s0+$0xFFFFFFE0] =	vst v8  }
0x75: {  	s3 =	simm.s32 $0x11CE8;
	v9 =	vpop (erf);
	v8 =	vmul.f32 v8, v10;
	v10 =	vsel vm0, v6, v7;
	vm0 =	vlt.u32 v14, v0;
	[tilespmem:s23+$0x20] =	vst v12  }
0x76: {  	vm1 =	vlt.u32 v15, v0;
	v11 =	vld [tilespmem:s3+$0xFFFFFFE0];
	[tilespmem:s0+$0x0] =	vst v9;
	v9 =	vmul.f32 v9, v10;
	v10 =	vsel vm0, v6, v7;
	v12 =	vpop (erf)  }
0x77: {  	s17 =	simm.s32 $0xA0;
	s6 =	simm.s32 $0xF0;
	vm0 =	vlt.u32 v13, v0;
	v14 =	vld [tilespmem:s3+$0x0];
	[tilespmem:s0+$0x10] =	vst v12;
	v10 =	vmul.f32 v12, v10;
	v12 =	vsel vm1, v6, v7;
	v13 =	vpop (erf)  }
.LBB2_2:
0x78: {  	p3 =	sne.s32 s6, $0x9B0;
	v15 =	vld [tilespmem:s3+$0x10];
	v16 =	vsel vm0, v6, v7;
	[tilespmem:s0+$0x20] =	vst v13;
	v12 =	vmul.f32 v13, v12;
	v13 =	vpop (erf);
	s23 =	sadd.s32 $0x50, s23  }
0x79: {  	v17 =	vld [tilespmem:s3+$0x20];
	[tilespmem:s23+$0xFFFFFFE0] =	vst v8;
	v8 =	vmul.f32 v13, v16  }
0x7a: {  	v16 =	vld [tilespmem:s3+$0xFFFFFFF0];
	[tilespmem:s23+$0x0] =	vst v9  }
0x7b: {  	v9 =	vsub.f32 $0.0e+00, v11;
	[tilespmem:s23+$0xFFFFFFF0] =	vst v8  }
0x7c: {  	v8 =	vsub.f32 $0.0e+00, v14;
	[tilespmem:s23+$0x10] =	vst v10  }
0x7d: {  	v9 =	vmul.f32 $1.442695020e+00, v9;
	v10 =	vsub.f32 $0.0e+00, v15;
	[tilespmem:s23+$0x20] =	vst v12  }
0x7e: {  	v8 =	vmul.f32 $1.442695020e+00, v8;
	v11 =	vsub.f32 $0.0e+00, v17;
	[tilespmem:s0+$0xFFFFFFF0] =	vst v13;
	s0 =	smov.u32 s3  }
0x7f: {  	v12 =	vsub.f32 $0.0e+00, v16;
	v10 =	vmul.f32 $1.442695020e+00, v10;
	(erf) = vpow2.f32 v9  }
0x80: {  	v9 =	vmul.f32 $1.442695020e+00, v11;
	(erf) = vpow2.f32 v8  }
0x81: {  	v8 =	vmul.f32 $1.442695020e+00, v12;
	(erf) = vpow2.f32 v10  }
0x82: {  	(erf) = vpow2.f32 v9  }
0x83: {  	(erf) = vpow2.f32 v8;
	_ =	sdelay $0x4  }
0x84: {  	v8 =	vpop (erf)  }
0x85: {  	v12 =	vadd.f32 $1.000000000e+00, v8;
	v9 =	vpop (erf)  }
0x86: {  	v9 =	vadd.f32 $1.000000000e+00, v9;
	v10 =	vpop (erf)  }
0x87: {  	v10 =	vadd.f32 $1.000000000e+00, v10;
	(erf) = vrcp.f32 v12;
	v8 =	vpop (erf)  }
0x88: {  	v8 =	vadd.f32 $1.000000000e+00, v8;
	v11 =	vpop (erf);
	(erf) = vrcp.f32 v9  }
0x89: {  	v9 =	vadd.f32 $1.000000000e+00, v11;
	(erf) = vrcp.f32 v10  }
0x8a: {  	(erf) = vrcp.f32 v8  }
0x8b: {  	(erf) = vrcp.f32 v9  }
0x8c: {  	s22 =	sadd.s32 s17, s16;
	s17 =	smov.u32 s6  }
0x8d: {  	v8 =	vor.u32 s22, v5  }
0x8e: {  	s7 =	sadd.s32 $0x10, s22;
	s24 =	sadd.s32 $0x20, s22;
	s8 =	sadd.s32 $0x30, s22;
	vm0 =	vlt.u32 v8, v0  }
.Ltmp0:
0x8f: {  	v14 =	vor.u32 s8, v5;
	v13 =	vor.u32 s24, v5;
	v10 =	vor.u32 s7, v5;
	s7 =	sadd.s32 $0x40, s22;
	(pc) =	sbr.rel @p3 .LBB2_2-.Ltmp0, $4  }
0x90: {  	v15 =	vor.u32 s7, v5;
	v11 =	vsel vm0, v6, v7;
	vm0 =	vlt.u32 v13, v0;
	v8 =	vpop (erf)  }
0x91: {  	s3 =	sadd.s32 $0x50, s3;
	v17 =	vsel vm0, v6, v7;
	vm0 =	vlt.u32 v14, v0;
	[tilespmem:s0+$0xFFFFFFE0] =	vst v8;
	v8 =	vmul.f32 v8, v11;
	v9 =	vpop (erf)  }
0x92: {  	vm1 =	vlt.u32 v15, v0;
	v16 =	vsel vm0, v6, v7;
	v11 =	vld [tilespmem:s3+$0xFFFFFFE0];
	[tilespmem:s0+$0x0] =	vst v9;
	v9 =	vmul.f32 v9, v17;
	v12 =	vpop (erf)  }
0x93: {  	s6 =	sadd.s32 $0x50, s6;
	vm0 =	vlt.u32 v10, v0;
	v14 =	vld [tilespmem:s3+$0x0];
	[tilespmem:s0+$0x10] =	vst v12;
	v10 =	vmul.f32 v12, v16;
	v12 =	vsel vm1, v6, v7;
	v13 =	vpop (erf)  }
0x94: {  	v15 =	vld [tilespmem:s3+$0x10];
	_ =	sdelay $0x1  }
0x95: {  	[tilespmem:s0+$0x20] =	vst v13  }
0x96: {  	v16 =	vld [tilespmem:s3+$0x20];
	v11 =	vsub.f32 $0.0e+00, v11  }
0x97: {  	v17 =	vld [tilespmem:s3+$0xFFFFFFF0];
	v14 =	vsub.f32 $0.0e+00, v14  }
0x98: {  	v11 =	vmul.f32 $1.442695020e+00, v11;
	v15 =	vsub.f32 $0.0e+00, v15  }
0x99: {  	v14 =	vmul.f32 $1.442695020e+00, v14  }
0x9a: {  	(erf) = vpow2.f32 v11;
	v15 =	vmul.f32 $1.442695020e+00, v15  }
0x9b: {  	v16 =	vsub.f32 $0.0e+00, v16;
	(erf) = vpow2.f32 v14  }
0x9c: {  	v11 =	vsub.f32 $0.0e+00, v17;
	(erf) = vpow2.f32 v15  }
0x9d: {  	v16 =	vmul.f32 $1.442695020e+00, v16  }
0x9e: {  	v11 =	vmul.f32 $1.442695020e+00, v11  }
0x9f: {  	(erf) = vpow2.f32 v16  }
0xa0: {  	(erf) = vpow2.f32 v11;
	_ =	sdelay $0x1  }
0xa1: {  	v11 =	vpop (erf)  }
0xa2: {  	v14 =	vpop (erf)  }
0xa3: {  	v14 =	vadd.f32 $1.000000000e+00, v14;
	v15 =	vpop (erf)  }
0xa4: {  	v15 =	vadd.f32 $1.000000000e+00, v15;
	v56 =	vpop (erf)  }
0xa5: {  	v16 =	vadd.f32 $1.000000000e+00, v56;
	(erf) = vrcp.f32 v14  }
0xa6: {  	(erf) = vrcp.f32 v15  }
0xa7: {  	v14 =	vpop (erf);
	(erf) = vrcp.f32 v16  }
0xa8: {  	v57 =	vsel vm0, v6, v7;
	s6 =	sadd.s32 $0x50, s23;
	v14 =	vadd.f32 $1.000000000e+00, v14;
	v15 =	vpop (erf)  }
0xa9: {  	[tilespmem:s6+$0xFFFFFFE0] =	vst v8;
	v8 =	vmul.f32 v11, v57;
	v15 =	vadd.f32 $1.000000000e+00, v15  }
0xaa: {  	s7 =	sadd.s32 s17, s16;
	[tilespmem:s6+$0x0] =	vst v9;
	(erf) = vrcp.f32 v14  }
0xab: {  	v9 =	vmul.f32 v13, v12;
	[tilespmem:s6+$0xFFFFFFF0] =	vst v8;
	v8 =	vor.u32 s7, v5;
	(erf) = vrcp.f32 v15  }
0xac: {  	[tilespmem:s6+$0x10] =	vst v10;
	s8 =	sadd.s32 $0x20, s7  }
0xad: {  	s24 =	sadd.s32 $0x10, s7;
	s17 =	sadd.s32 $0x30, s7;
	v10 =	vor.u32 s8, v5;
	[tilespmem:s6+$0x20] =	vst v9  }
0xae: {  	v9 =	vor.u32 s24, v5;
	[tilespmem:s0+$0xFFFFFFF0] =	vst v11;
	v11 =	vor.u32 s17, v5;
	vm0 =	vlt.u32 v8, v0;
	v8 =	vpop (erf)  }
0xaf: {  	s8 =	sadd.s32 $0x40, s7;
	vm1 =	vlt.u32 v11, v0;
	v13 =	vsel vm0, v6, v7;
	vm0 =	vlt.u32 v10, v0;
	[tilespmem:s3+$0xFFFFFFE0] =	vst v8;
	v12 =	vpop (erf)  }
0xb0: {  	v10 =	vor.u32 s8, v5;
	v8 =	vmul.f32 v8, v13;
	v13 =	vsel vm0, v6, v7;
	[tilespmem:s3+$0x0] =	vst v12;
	v14 =	vpop (erf)  }
0xb1: {  	s17 =	sadd.s32 $0x50, s6;
	v15 =	vsel vm1, v6, v7;
	vm0 =	vlt.u32 v9, v0;
	v11 =	vmul.f32 v12, v13;
	[tilespmem:s3+$0x10] =	vst v14  }
0xb2: {  	v12 =	vsel vm0, v6, v7;
	vm0 =	vlt.u32 v10, v0;
	[tilespmem:s17+$0xFFFFFFE0] =	vst v8;
	v10 =	vmul.f32 v14, v15  }
0xb3: {  	[tilespmem:s17+$0x0] =	vst v11;
	v9 =	vpop (erf)  }
0xb4: {  	[tilespmem:s17+$0x10] =	vst v10;
	v13 =	vpop (erf)  }
0xb5: {  	[tilespmem:s3+$0x20] =	vst v9;
	v8 =	vmul.f32 v13, v12;
	v12 =	vsel vm0, v6, v7  }
0xb6: {  	[tilespmem:s3+$0xFFFFFFF0] =	vst v13;
	v9 =	vmul.f32 v9, v12  }
0xb7: {  	[tilespmem:s17+$0xFFFFFFF0] =	vst v8  }
0xb8: {  	s22 =	simm.s32 $0x0;
	s23 =	rddreg [dreg:$0x7];
	s24 =	simm.s32 $0x11C28;
	[tilespmem:s17+$0x20] =	vst v9  }
0xb9: {  	[hbm4b:s23+s22] =	stream.linear.scatter [tilespmem:s24], [sflag:$0x6], $0xA00, $0x38;
	[tilespmem:$0x16C68] =	vst v63  }
0xba: {  	s6 =	rddreg [dreg:$0x8];
	s7 =	simm.s32 $0x14428  }
0xbb: {  	[hbm4b:s6+s22] =	stream.linear.scatter [tilespmem:s7], [sflag:$0x7], $0xA00, $0x38;
	[tilespmem:$0x16C68] =	vst v63  }
0xbc: {  	_ =	swait.ge [sflag:s2], $0xA00  }
0xbd: {  	[sflag:s2] =	ssyncset.done $0x0  }
0xbe: {  	s3 =	simm.s32 $0x12668;
	[sflag:s2] =	ssyncadd.s32 $0xFFFFF600  }
0xbf: {  	v8 =	vld [tilespmem:s3+$0xFFFFFFC0];
	_ =	sdelay $0x2  }
0xc0: {  	v9 =	vld [tilespmem:s3+$0xFFFFFFD0];
	_ =	sdelay $0x1  }
0xc1: {  	v10 =	vld [tilespmem:s3+$0xFFFFFFE0];
	v8 =	vsub.f32 $0.0e+00, v8;
	_ =	sdelay $0x1  }
0xc2: {  	v11 =	vld [tilespmem:s3+$0x0];
	v8 =	vmul.f32 $1.442695020e+00, v8  }
0xc3: {  	v9 =	vsub.f32 $0.0e+00, v9  }
0xc4: {  	(erf) = vpow2.f32 v8  }
0xc5: {  	v10 =	vsub.f32 $0.0e+00, v10;
	v9 =	vmul.f32 $1.442695020e+00, v9;
	v8 =	vld [tilespmem:s3+$0xFFFFFFF0];
	_ =	sdelay $0x1  }
0xc6: {  	v11 =	vsub.f32 $0.0e+00, v11;
	v10 =	vmul.f32 $1.442695020e+00, v10;
	(erf) = vpow2.f32 v9;
	_ =	sdelay $0x1  }
0xc7: {  	v9 =	vmul.f32 $1.442695020e+00, v11;
	(erf) = vpow2.f32 v10  }
0xc8: {  	v8 =	vsub.f32 $0.0e+00, v8;
	_ =	sdelay $0x1  }
0xc9: {  	(erf) = vpow2.f32 v9;
	v8 =	vmul.f32 $1.442695020e+00, v8  }
0xca: {  	v9 =	vpop (erf)  }
0xcb: {  	v9 =	vadd.f32 $1.000000000e+00, v9;
	_ =	sdelay $0x1  }
0xcc: {  	(erf) = vpow2.f32 v8;
	v8 =	vpop (erf)  }
0xcd: {  	v8 =	vadd.f32 $1.000000000e+00, v8  }
0xce: {  	(erf) = vrcp.f32 v9;
	v9 =	vpop (erf)  }
0xcf: {  	v9 =	vadd.f32 $1.000000000e+00, v9  }
0xd0: {  	(erf) = vrcp.f32 v8  }
0xd1: {  	v8 =	vpop (erf);
	(erf) = vrcp.f32 v9  }
0xd2: {  	v8 =	vadd.f32 $1.000000000e+00, v8;
	_ =	sdelay $0x1  }
0xd3: {  	(erf) = vrcp.f32 v8;
	_ =	sdelay $0x2  }
0xd4: {  	v8 =	vpop (erf)  }
0xd5: {  	v9 =	vpop (erf)  }
0xd6: {  	s0 =	simm.s32 $0x126B8;
	[tilespmem:s3+$0xFFFFFFC0] =	vst v9;
	v10 =	vpop (erf)  }
0xd7: {  	v11 =	vld [tilespmem:s0+$0xFFFFFFC0];
	[tilespmem:s3+$0xFFFFFFD0] =	vst v10;
	v12 =	vpop (erf)  }
0xd8: {  	v13 =	vld [tilespmem:s0+$0xFFFFFFD0];
	[tilespmem:s3+$0xFFFFFFE0] =	vst v12  }
0xd9: {  	v15 =	vld [tilespmem:s0+$0xFFFFFFE0]  }
0xda: {  	v14 =	vpop (erf)  }
0xdb: {  	[tilespmem:s3+$0x0] =	vst v14  }
0xdc: {  	v8 =	vadd.f32 $1.000000000e+00, v8;
	v11 =	vsub.f32 $0.0e+00, v11;
	v58 =	vld [tilespmem:s0+$0x0]  }
0xdd: {  	v13 =	vsub.f32 $0.0e+00, v13  }
0xde: {  	(erf) = vrcp.f32 v8;
	v11 =	vmul.f32 $1.442695020e+00, v11;
	v8 =	vsub.f32 $0.0e+00, v15;
	v15 =	vld [tilespmem:s0+$0xFFFFFFF0]  }
0xdf: {  	v13 =	vmul.f32 $1.442695020e+00, v13  }
0xe0: {  	(erf) = vpow2.f32 v11  }
0xe1: {  	(erf) = vpow2.f32 v13;
	v11 =	vsub.f32 $0.0e+00, v58;
	v8 =	vmul.f32 $1.442695020e+00, v8;
	_ =	sdelay $0x1  }
0xe2: {  	v11 =	vmul.f32 $1.442695020e+00, v11;
	(erf) = vpow2.f32 v8;
	v8 =	vsub.f32 $0.0e+00, v15;
	_ =	sdelay $0x1  }
0xe3: {  	v8 =	vmul.f32 $1.442695020e+00, v8  }
0xe4: {  	(erf) = vpow2.f32 v11  }
0xe5: {  	s6 =	sadd.s32 $0x0, s16;
	v11 =	vpop (erf);
	(erf) = vpow2.f32 v8  }
0xe6: {  	s8 =	sadd.s32 $0xA00, s6  }
0xe7: {  	v13 =	vor.u32 s8, v5;
	v8 =	vpop (erf)  }
0xe8: {  	s17 =	sadd.s32 $0xA10, s6;
	vm0 =	vlt.u32 v13, v0;
	v59 =	vpop (erf)  }
0xe9: {  	v61 =	vsel vm0, v6, v7;
	v15 =	vor.u32 s17, v5;
	v13 =	vadd.f32 $1.000000000e+00, v59  }
0xea: {  	s23 =	sadd.s32 $0xA30, s6;
	v9 =	vmul.f32 v9, v61;
	vm0 =	vlt.u32 v15, v0;
	v8 =	vadd.f32 $1.000000000e+00, v8  }
0xeb: {  	s22 =	sadd.s32 $0xA20, s6;
	v62 =	vor.u32 s23, v5;
	v63 =	vsel vm0, v6, v7;
	v60 =	vpop (erf)  }
0xec: {  	(erf) = vrcp.f32 v8;
	v8 =	vor.u32 s22, v5;
	v16 =	vadd.f32 $1.000000000e+00, v60  }
0xed: {  	s23 =	simm.s32 $0x14E68;
	(erf) = vrcp.f32 v13;
	vm0 =	vlt.u32 v8, v0;
	v8 =	vmul.f32 v10, v63;
	v13 =	vpop (erf)  }
0xee: {  	[tilespmem:s23+$0xFFFFFFC0] =	vst v9;
	v13 =	vadd.f32 $1.000000000e+00, v13;
	v9 =	vpop (erf)  }
0xef: {  	s6 =	sadd.s32 $0xA40, s6;
	(erf) = vrcp.f32 v16;
	[tilespmem:s23+$0xFFFFFFD0] =	vst v8;
	v8 =	vadd.f32 $1.000000000e+00, v9  }
0xf0: {  	vm1 =	vlt.u32 v62, v0;
	v15 =	vor.u32 s6, v5;
	(erf) = vrcp.f32 v13  }
0xf1: {  	s6 =	sadd.s32 $0x50, s16;
	v10 =	vsel vm0, v6, v7;
	vm0 =	vlt.u32 v15, v0;
	(erf) = vrcp.f32 v8  }
0xf2: {  	s17 =	sadd.s32 $0xA00, s6;
	v10 =	vmul.f32 v12, v10;
	v12 =	vsel vm0, v6, v7;
	v13 =	vsel vm1, v6, v7  }
0xf3: {  	[tilespmem:s3+$0xFFFFFFF0] =	vst v11;
	s22 =	sadd.s32 $0xA10, s6;
	v9 =	vmul.f32 v14, v12;
	v12 =	vmul.f32 v11, v13;
	v8 =	vor.u32 s17, v5  }
0xf4: {  	[tilespmem:s23+$0xFFFFFFE0] =	vst v10;
	v10 =	vor.u32 s22, v5;
	s22 =	sadd.s32 $0xA30, s6;
	s17 =	sadd.s32 $0xA20, s6;
	s6 =	sadd.s32 $0xA40, s6;
	vm0 =	vlt.u32 v8, v0  }
0xf5: {  	[tilespmem:s23+$0x0] =	vst v9;
	v13 =	vpop (erf);
	v8 =	vsel vm0, v6, v7;
	vm0 =	vlt.u32 v10, v0;
	v10 =	vor.u32 s6, v5  }
0xf6: {  	v14 =	vor.u32 s17, v5;
	[tilespmem:s0+$0xFFFFFFC0] =	vst v13;
	v8 =	vmul.f32 v13, v8;
	v13 =	vsel vm0, v6, v7  }
0xf7: {  	s3 =	simm.s32 $0x12708;
	v15 =	vor.u32 s22, v5;
	[tilespmem:s23+$0xFFFFFFF0] =	vst v12;
	vm0 =	vlt.u32 v14, v0;
	v12 =	vpop (erf)  }
0xf8: {  	vm1 =	vlt.u32 v10, v0;
	v11 =	vld [tilespmem:s3+$0xFFFFFFC0];
	[tilespmem:s0+$0xFFFFFFD0] =	vst v12;
	v9 =	vmul.f32 v12, v13;
	v12 =	vsel vm0, v6, v7;
	v10 =	vpop (erf)  }
0xf9: {  	s17 =	simm.s32 $0xA0;
	s6 =	simm.s32 $0xF0;
	vm0 =	vlt.u32 v15, v0;
	v14 =	vld [tilespmem:s3+$0xFFFFFFD0];
	[tilespmem:s0+$0xFFFFFFE0] =	vst v10;
	v10 =	vmul.f32 v10, v12;
	v12 =	vsel vm1, v6, v7;
	v13 =	vpop (erf)  }
.LBB2_4:
0xfa: {  	p3 =	sne.s32 s6, $0x9B0;
	v15 =	vld [tilespmem:s3+$0xFFFFFFE0];
	v16 =	vsel vm0, v6, v7;
	[tilespmem:s0+$0x0] =	vst v13;
	v12 =	vmul.f32 v13, v12;
	v13 =	vpop (erf);
	s23 =	sadd.s32 $0x50, s23  }
0xfb: {  	v17 =	vld [tilespmem:s3+$0x0];
	[tilespmem:s23+$0xFFFFFFC0] =	vst v8;
	v8 =	vmul.f32 v13, v16  }
0xfc: {  	v16 =	vld [tilespmem:s3+$0xFFFFFFF0];
	[tilespmem:s23+$0xFFFFFFD0] =	vst v9  }
0xfd: {  	v9 =	vsub.f32 $0.0e+00, v11;
	[tilespmem:s23+$0xFFFFFFE0] =	vst v10  }
0xfe: {  	v10 =	vsub.f32 $0.0e+00, v14;
	[tilespmem:s23+$0xFFFFFFF0] =	vst v8  }
0xff: {  	v8 =	vmul.f32 $1.442695020e+00, v9;
	v9 =	vsub.f32 $0.0e+00, v15;
	[tilespmem:s23+$0x0] =	vst v12  }
0x100: {  	v10 =	vmul.f32 $1.442695020e+00, v10;
	v11 =	vsub.f32 $0.0e+00, v17;
	[tilespmem:s0+$0xFFFFFFF0] =	vst v13;
	s0 =	smov.u32 s3  }
0x101: {  	v9 =	vmul.f32 $1.442695020e+00, v9;
	v12 =	vsub.f32 $0.0e+00, v16;
	(erf) = vpow2.f32 v8  }
0x102: {  	v8 =	vmul.f32 $1.442695020e+00, v11;
	(erf) = vpow2.f32 v10  }
0x103: {  	v10 =	vmul.f32 $1.442695020e+00, v12;
	(erf) = vpow2.f32 v9  }
0x104: {  	(erf) = vpow2.f32 v8  }
0x105: {  	(erf) = vpow2.f32 v10;
	_ =	sdelay $0x4  }
0x106: {  	v8 =	vpop (erf)  }
0x107: {  	v11 =	vadd.f32 $1.000000000e+00, v8;
	v9 =	vpop (erf)  }
0x108: {  	v12 =	vadd.f32 $1.000000000e+00, v9;
	v10 =	vpop (erf)  }
0x109: {  	v10 =	vadd.f32 $1.000000000e+00, v10;
	(erf) = vrcp.f32 v11;
	v8 =	vpop (erf)  }
0x10a: {  	v8 =	vadd.f32 $1.000000000e+00, v8;
	(erf) = vrcp.f32 v12;
	v9 =	vpop (erf)  }
0x10b: {  	v9 =	vadd.f32 $1.000000000e+00, v9;
	(erf) = vrcp.f32 v10  }
0x10c: {  	(erf) = vrcp.f32 v8  }
0x10d: {  	(erf) = vrcp.f32 v9  }
0x10e: {  	s7 =	sadd.s32 s17, s16;
	s17 =	smov.u32 s6  }
0x10f: {  	s8 =	sadd.s32 $0xA00, s7;
	s22 =	sadd.s32 $0xA10, s7  }
0x110: {  	v11 =	vor.u32 s22, v5;
	s22 =	sadd.s32 $0xA30, s7;
	v8 =	vor.u32 s8, v5;
	s8 =	sadd.s32 $0xA20, s7  }
.Ltmp1:
0x111: {  	v12 =	vor.u32 s22, v5;
	s7 =	sadd.s32 $0xA40, s7;
	vm0 =	vlt.u32 v8, v0;
	v14 =	vor.u32 s8, v5;
	(pc) =	sbr.rel @p3 .LBB2_4-.Ltmp1, $4  }
0x112: {  	v15 =	vor.u32 s7, v5;
	v8 =	vsel vm0, v6, v7;
	vm0 =	vlt.u32 v11, v0;
	v9 =	vpop (erf)  }
0x113: {  	s3 =	sadd.s32 $0x50, s3;
	[tilespmem:s0+$0xFFFFFFC0] =	vst v9;
	v8 =	vmul.f32 v9, v8;
	v9 =	vsel vm0, v6, v7;
	vm0 =	vlt.u32 v14, v0;
	v10 =	vpop (erf)  }
0x114: {  	vm1 =	vlt.u32 v15, v0;
	v11 =	vld [tilespmem:s3+$0xFFFFFFC0];
	[tilespmem:s0+$0xFFFFFFD0] =	vst v10;
	v9 =	vmul.f32 v10, v9;
	v10 =	vsel vm0, v6, v7;
	v13 =	vpop (erf)  }
0x115: {  	s6 =	sadd.s32 $0x50, s6;
	vm0 =	vlt.u32 v12, v0;
	v12 =	vsel vm1, v6, v7;
	v14 =	vld [tilespmem:s3+$0xFFFFFFD0];
	[tilespmem:s0+$0xFFFFFFE0] =	vst v13;
	v10 =	vmul.f32 v13, v10;
	v13 =	vpop (erf)  }
0x116: {  	v15 =	vld [tilespmem:s3+$0xFFFFFFE0];
	_ =	sdelay $0x1  }
0x117: {  	[tilespmem:s0+$0x0] =	vst v13  }
0x118: {  	v16 =	vld [tilespmem:s3+$0x0];
	v11 =	vsub.f32 $0.0e+00, v11  }
0x119: {  	v17 =	vld [tilespmem:s3+$0xFFFFFFF0];
	v14 =	vsub.f32 $0.0e+00, v14  }
0x11a: {  	v11 =	vmul.f32 $1.442695020e+00, v11;
	v15 =	vsub.f32 $0.0e+00, v15  }
0x11b: {  	v14 =	vmul.f32 $1.442695020e+00, v14  }
0x11c: {  	(erf) = vpow2.f32 v11;
	v11 =	vmul.f32 $1.442695020e+00, v15  }
0x11d: {  	v16 =	vsub.f32 $0.0e+00, v16;
	(erf) = vpow2.f32 v14  }
0x11e: {  	v15 =	vsub.f32 $0.0e+00, v17;
	(erf) = vpow2.f32 v11  }
0x11f: {  	v16 =	vmul.f32 $1.442695020e+00, v16  }
0x120: {  	v11 =	vmul.f32 $1.442695020e+00, v15  }
0x121: {  	(erf) = vpow2.f32 v16;
	_ =	sdelay $0x1  }
0x122: {  	(erf) = vpow2.f32 v11  }
0x123: {  	v11 =	vpop (erf)  }
0x124: {  	v14 =	vpop (erf)  }
0x125: {  	v14 =	vadd.f32 $1.000000000e+00, v14;
	v15 =	vpop (erf)  }
0x126: {  	v15 =	vadd.f32 $1.000000000e+00, v15;
	v57 =	vpop (erf)  }
0x127: {  	v16 =	vadd.f32 $1.000000000e+00, v57;
	(erf) = vrcp.f32 v14  }
0x128: {  	(erf) = vrcp.f32 v15  }
0x129: {  	v14 =	vpop (erf);
	(erf) = vrcp.f32 v16  }
0x12a: {  	s6 =	sadd.s32 $0x50, s23;
	v14 =	vadd.f32 $1.000000000e+00, v14  }
0x12b: {  	[tilespmem:s6+$0xFFFFFFD0] =	vst v9;
	v9 =	vmul.f32 v13, v12;
	v15 =	vpop (erf)  }
0x12c: {  	[tilespmem:s6+$0xFFFFFFC0] =	vst v8;
	v15 =	vadd.f32 $1.000000000e+00, v15;
	(erf) = vrcp.f32 v14;
	v14 =	vsel vm0, v6, v7  }
0x12d: {  	s7 =	sadd.s32 s17, s16;
	[tilespmem:s6+$0xFFFFFFE0] =	vst v10;
	v8 =	vmul.f32 v11, v14  }
0x12e: {  	s8 =	sadd.s32 $0xA00, s7;
	[tilespmem:s6+$0x0] =	vst v9;
	(erf) = vrcp.f32 v15  }
0x12f: {  	s17 =	sadd.s32 $0xA10, s7;
	[tilespmem:s6+$0xFFFFFFF0] =	vst v8;
	v8 =	vor.u32 s8, v5  }
0x130: {  	v9 =	vor.u32 s17, v5;
	[tilespmem:s0+$0xFFFFFFF0] =	vst v11;
	v10 =	vpop (erf);
	vm0 =	vlt.u32 v8, v0  }
0x131: {  	s22 =	sadd.s32 $0xA20, s7;
	[tilespmem:s3+$0xFFFFFFC0] =	vst v10;
	v12 =	vpop (erf);
	v13 =	vsel vm0, v6, v7;
	vm0 =	vlt.u32 v9, v0  }
0x132: {  	v8 =	vor.u32 s22, v5;
	[tilespmem:s3+$0xFFFFFFD0] =	vst v12;
	v14 =	vpop (erf);
	v10 =	vmul.f32 v10, v13;
	v13 =	vsel vm0, v6, v7  }
0x133: {  	s17 =	sadd.s32 $0xA40, s7;
	s22 =	sadd.s32 $0x50, s6;
	vm0 =	vlt.u32 v8, v0;
	[tilespmem:s3+$0xFFFFFFE0] =	vst v14;
	v12 =	vmul.f32 v12, v13  }
0x134: {  	s23 =	sadd.s32 $0xA30, s7;
	v9 =	vor.u32 s17, v5;
	v13 =	vsel vm0, v6, v7;
	[tilespmem:s22+$0xFFFFFFC0] =	vst v10  }
0x135: {  	v11 =	vor.u32 s23, v5;
	vm1 =	vlt.u32 v9, v0;
	v9 =	vmul.f32 v14, v13;
	v8 =	vpop (erf);
	[tilespmem:s22+$0xFFFFFFD0] =	vst v12  }
0x136: {  	vm0 =	vlt.u32 v11, v0;
	v10 =	vsel vm1, v6, v7;
	[tilespmem:s3+$0x0] =	vst v8  }
0x137: {  	v11 =	vsel vm0, v6, v7;
	v13 =	vpop (erf);
	v8 =	vmul.f32 v8, v10;
	[tilespmem:s22+$0xFFFFFFE0] =	vst v9  }
0x138: {  	v11 =	vmul.f32 v13, v11;
	[tilespmem:s3+$0xFFFFFFF0] =	vst v13  }
0x139: {  	[tilespmem:s22+$0x0] =	vst v8  }
0x13a: {  	s23 =	simm.s32 $0x0;
	s6 =	simm.s32 $0x12628;
	[tilespmem:s22+$0xFFFFFFF0] =	vst v11  }
0x13b: {  	[hbm4b:s9+s23] =	stream.linear.scatter [tilespmem:s6], [sflag:$0x6], $0xA00, $0x38;
	[tilespmem:$0x16C68] =	vst v63  }
0x13c: {  	s7 =	simm.s32 $0x14E28  }
0x13d: {  	[hbm4b:s10+s23] =	stream.linear.scatter [tilespmem:s7], [sflag:$0x7], $0xA00, $0x38;
	[tilespmem:$0x16C68] =	vst v63  }
0x13e: {  	_ =	swait.ge [sflag:s1], $0xA00  }
0x13f: {  	[sflag:s1] =	ssyncset.done $0x0  }
0x140: {  	s3 =	simm.s32 $0x13068;
	[sflag:s1] =	ssyncadd.s32 $0xFFFFF600  }
0x141: {  	v8 =	vld [tilespmem:s3+$0xFFFFFFC0];
	_ =	sdelay $0x2  }
0x142: {  	v9 =	vld [tilespmem:s3+$0xFFFFFFD0];
	_ =	sdelay $0x1  }
0x143: {  	v10 =	vld [tilespmem:s3+$0xFFFFFFE0];
	v8 =	vsub.f32 $0.0e+00, v8;
	_ =	sdelay $0x1  }
0x144: {  	v11 =	vld [tilespmem:s3+$0x0];
	v8 =	vmul.f32 $1.442695020e+00, v8  }
0x145: {  	v9 =	vsub.f32 $0.0e+00, v9  }
0x146: {  	(erf) = vpow2.f32 v8  }
0x147: {  	v10 =	vsub.f32 $0.0e+00, v10;
	v9 =	vmul.f32 $1.442695020e+00, v9;
	v8 =	vld [tilespmem:s3+$0xFFFFFFF0];
	_ =	sdelay $0x1  }
0x148: {  	v11 =	vsub.f32 $0.0e+00, v11;
	v10 =	vmul.f32 $1.442695020e+00, v10;
	(erf) = vpow2.f32 v9;
	_ =	sdelay $0x1  }
0x149: {  	v9 =	vmul.f32 $1.442695020e+00, v11;
	(erf) = vpow2.f32 v10  }
0x14a: {  	v8 =	vsub.f32 $0.0e+00, v8;
	_ =	sdelay $0x1  }
0x14b: {  	(erf) = vpow2.f32 v9;
	v8 =	vmul.f32 $1.442695020e+00, v8  }
0x14c: {  	v9 =	vpop (erf)  }
0x14d: {  	v9 =	vadd.f32 $1.000000000e+00, v9;
	_ =	sdelay $0x1  }
0x14e: {  	(erf) = vpow2.f32 v8;
	v8 =	vpop (erf)  }
0x14f: {  	v8 =	vadd.f32 $1.000000000e+00, v8  }
0x150: {  	(erf) = vrcp.f32 v9;
	v9 =	vpop (erf)  }
0x151: {  	v9 =	vadd.f32 $1.000000000e+00, v9  }
0x152: {  	(erf) = vrcp.f32 v8  }
0x153: {  	v8 =	vpop (erf);
	(erf) = vrcp.f32 v9  }
0x154: {  	v8 =	vadd.f32 $1.000000000e+00, v8;
	_ =	sdelay $0x1  }
0x155: {  	(erf) = vrcp.f32 v8;
	_ =	sdelay $0x2  }
0x156: {  	v8 =	vpop (erf)  }
0x157: {  	v9 =	vpop (erf)  }
0x158: {  	s0 =	simm.s32 $0x130B8;
	[tilespmem:s3+$0xFFFFFFC0] =	vst v9;
	v10 =	vpop (erf)  }
0x159: {  	v11 =	vld [tilespmem:s0+$0xFFFFFFC0];
	[tilespmem:s3+$0xFFFFFFD0] =	vst v10;
	v12 =	vpop (erf)  }
0x15a: {  	v13 =	vld [tilespmem:s0+$0xFFFFFFD0];
	[tilespmem:s3+$0xFFFFFFE0] =	vst v12  }
0x15b: {  	v15 =	vld [tilespmem:s0+$0xFFFFFFE0]  }
0x15c: {  	v14 =	vpop (erf)  }
0x15d: {  	[tilespmem:s3+$0x0] =	vst v14  }
0x15e: {  	v8 =	vadd.f32 $1.000000000e+00, v8;
	v11 =	vsub.f32 $0.0e+00, v11;
	v58 =	vld [tilespmem:s0+$0x0]  }
0x15f: {  	v13 =	vsub.f32 $0.0e+00, v13  }
0x160: {  	(erf) = vrcp.f32 v8;
	v11 =	vmul.f32 $1.442695020e+00, v11;
	v8 =	vsub.f32 $0.0e+00, v15;
	v15 =	vld [tilespmem:s0+$0xFFFFFFF0]  }
0x161: {  	v13 =	vmul.f32 $1.442695020e+00, v13  }
0x162: {  	(erf) = vpow2.f32 v11  }
0x163: {  	(erf) = vpow2.f32 v13;
	v11 =	vsub.f32 $0.0e+00, v58;
	v8 =	vmul.f32 $1.442695020e+00, v8;
	_ =	sdelay $0x1  }
0x164: {  	v11 =	vmul.f32 $1.442695020e+00, v11;
	(erf) = vpow2.f32 v8;
	v8 =	vsub.f32 $0.0e+00, v15;
	_ =	sdelay $0x1  }
0x165: {  	v8 =	vmul.f32 $1.442695020e+00, v8  }
0x166: {  	(erf) = vpow2.f32 v11  }
0x167: {  	s6 =	sadd.s32 $0x0, s16;
	v11 =	vpop (erf);
	(erf) = vpow2.f32 v8  }
0x168: {  	s8 =	sadd.s32 $0x1400, s6  }
0x169: {  	v13 =	vor.u32 s8, v5;
	v8 =	vpop (erf)  }
0x16a: {  	s17 =	sadd.s32 $0x1410, s6;
	vm0 =	vlt.u32 v13, v0;
	v59 =	vpop (erf)  }
0x16b: {  	v61 =	vsel vm0, v6, v7;
	v15 =	vor.u32 s17, v5;
	v13 =	vadd.f32 $1.000000000e+00, v59  }
0x16c: {  	s23 =	sadd.s32 $0x1430, s6;
	v9 =	vmul.f32 v9, v61;
	vm0 =	vlt.u32 v15, v0;
	v8 =	vadd.f32 $1.000000000e+00, v8  }
0x16d: {  	s22 =	sadd.s32 $0x1420, s6;
	v62 =	vor.u32 s23, v5;
	v63 =	vsel vm0, v6, v7;
	v60 =	vpop (erf)  }
0x16e: {  	(erf) = vrcp.f32 v8;
	v8 =	vor.u32 s22, v5;
	v16 =	vadd.f32 $1.000000000e+00, v60  }
0x16f: {  	s23 =	simm.s32 $0x15868;
	(erf) = vrcp.f32 v13;
	vm0 =	vlt.u32 v8, v0;
	v8 =	vmul.f32 v10, v63;
	v13 =	vpop (erf)  }
0x170: {  	[tilespmem:s23+$0xFFFFFFC0] =	vst v9;
	v13 =	vadd.f32 $1.000000000e+00, v13;
	v9 =	vpop (erf)  }
0x171: {  	s6 =	sadd.s32 $0x1440, s6;
	(erf) = vrcp.f32 v16;
	[tilespmem:s23+$0xFFFFFFD0] =	vst v8;
	v8 =	vadd.f32 $1.000000000e+00, v9  }
0x172: {  	vm1 =	vlt.u32 v62, v0;
	v15 =	vor.u32 s6, v5;
	(erf) = vrcp.f32 v13  }
0x173: {  	s6 =	sadd.s32 $0x50, s16;
	v10 =	vsel vm0, v6, v7;
	vm0 =	vlt.u32 v15, v0;
	(erf) = vrcp.f32 v8  }
0x174: {  	s17 =	sadd.s32 $0x1400, s6;
	v10 =	vmul.f32 v12, v10;
	v12 =	vsel vm0, v6, v7;
	v13 =	vsel vm1, v6, v7  }
0x175: {  	[tilespmem:s3+$0xFFFFFFF0] =	vst v11;
	s22 =	sadd.s32 $0x1410, s6;
	v9 =	vmul.f32 v14, v12;
	v12 =	vmul.f32 v11, v13;
	v8 =	vor.u32 s17, v5  }
0x176: {  	[tilespmem:s23+$0xFFFFFFE0] =	vst v10;
	v10 =	vor.u32 s22, v5;
	s22 =	sadd.s32 $0x1430, s6;
	s17 =	sadd.s32 $0x1420, s6;
	s6 =	sadd.s32 $0x1440, s6;
	vm0 =	vlt.u32 v8, v0  }
0x177: {  	[tilespmem:s23+$0x0] =	vst v9;
	v13 =	vpop (erf);
	v8 =	vsel vm0, v6, v7;
	vm0 =	vlt.u32 v10, v0;
	v10 =	vor.u32 s6, v5  }
0x178: {  	v14 =	vor.u32 s17, v5;
	[tilespmem:s0+$0xFFFFFFC0] =	vst v13;
	v8 =	vmul.f32 v13, v8;
	v13 =	vsel vm0, v6, v7  }
0x179: {  	s3 =	simm.s32 $0x13108;
	v15 =	vor.u32 s22, v5;
	[tilespmem:s23+$0xFFFFFFF0] =	vst v12;
	vm0 =	vlt.u32 v14, v0;
	v12 =	vpop (erf)  }
0x17a: {  	vm1 =	vlt.u32 v10, v0;
	v11 =	vld [tilespmem:s3+$0xFFFFFFC0];
	[tilespmem:s0+$0xFFFFFFD0] =	vst v12;
	v9 =	vmul.f32 v12, v13;
	v12 =	vsel vm0, v6, v7;
	v10 =	vpop (erf)  }
0x17b: {  	s17 =	simm.s32 $0xA0;
	s6 =	simm.s32 $0xF0;
	vm0 =	vlt.u32 v15, v0;
	v14 =	vld [tilespmem:s3+$0xFFFFFFD0];
	[tilespmem:s0+$0xFFFFFFE0] =	vst v10;
	v10 =	vmul.f32 v10, v12;
	v12 =	vsel vm1, v6, v7;
	v13 =	vpop (erf)  }
.LBB2_6:
0x17c: {  	p3 =	sne.s32 s6, $0x9B0;
	v15 =	vld [tilespmem:s3+$0xFFFFFFE0];
	v16 =	vsel vm0, v6, v7;
	[tilespmem:s0+$0x0] =	vst v13;
	v12 =	vmul.f32 v13, v12;
	v13 =	vpop (erf);
	s23 =	sadd.s32 $0x50, s23  }
0x17d: {  	v17 =	vld [tilespmem:s3+$0x0];
	[tilespmem:s23+$0xFFFFFFC0] =	vst v8;
	v8 =	vmul.f32 v13, v16  }
0x17e: {  	v16 =	vld [tilespmem:s3+$0xFFFFFFF0];
	[tilespmem:s23+$0xFFFFFFD0] =	vst v9  }
0x17f: {  	v9 =	vsub.f32 $0.0e+00, v11;
	[tilespmem:s23+$0xFFFFFFE0] =	vst v10  }
0x180: {  	v10 =	vsub.f32 $0.0e+00, v14;
	[tilespmem:s23+$0xFFFFFFF0] =	vst v8  }
0x181: {  	v8 =	vmul.f32 $1.442695020e+00, v9;
	v9 =	vsub.f32 $0.0e+00, v15;
	[tilespmem:s23+$0x0] =	vst v12  }
0x182: {  	v10 =	vmul.f32 $1.442695020e+00, v10;
	v11 =	vsub.f32 $0.0e+00, v17;
	[tilespmem:s0+$0xFFFFFFF0] =	vst v13;
	s0 =	smov.u32 s3  }
0x183: {  	v9 =	vmul.f32 $1.442695020e+00, v9;
	v12 =	vsub.f32 $0.0e+00, v16;
	(erf) = vpow2.f32 v8  }
0x184: {  	v8 =	vmul.f32 $1.442695020e+00, v11;
	(erf) = vpow2.f32 v10  }
0x185: {  	v10 =	vmul.f32 $1.442695020e+00, v12;
	(erf) = vpow2.f32 v9  }
0x186: {  	(erf) = vpow2.f32 v8  }
0x187: {  	(erf) = vpow2.f32 v10;
	_ =	sdelay $0x4  }
0x188: {  	v8 =	vpop (erf)  }
0x189: {  	v11 =	vadd.f32 $1.000000000e+00, v8;
	v9 =	vpop (erf)  }
0x18a: {  	v12 =	vadd.f32 $1.000000000e+00, v9;
	v10 =	vpop (erf)  }
0x18b: {  	v10 =	vadd.f32 $1.000000000e+00, v10;
	(erf) = vrcp.f32 v11;
	v8 =	vpop (erf)  }
0x18c: {  	v8 =	vadd.f32 $1.000000000e+00, v8;
	(erf) = vrcp.f32 v12;
	v9 =	vpop (erf)  }
0x18d: {  	v9 =	vadd.f32 $1.000000000e+00, v9;
	(erf) = vrcp.f32 v10  }
0x18e: {  	(erf) = vrcp.f32 v8  }
0x18f: {  	(erf) = vrcp.f32 v9  }
0x190: {  	s7 =	sadd.s32 s17, s16;
	s17 =	smov.u32 s6  }
0x191: {  	s8 =	sadd.s32 $0x1400, s7;
	s22 =	sadd.s32 $0x1410, s7  }
0x192: {  	v11 =	vor.u32 s22, v5;
	s22 =	sadd.s32 $0x1430, s7;
	v8 =	vor.u32 s8, v5;
	s8 =	sadd.s32 $0x1420, s7  }
.Ltmp2:
0x193: {  	v12 =	vor.u32 s22, v5;
	s7 =	sadd.s32 $0x1440, s7;
	vm0 =	vlt.u32 v8, v0;
	v14 =	vor.u32 s8, v5;
	(pc) =	sbr.rel @p3 .LBB2_6-.Ltmp2, $4  }
0x194: {  	v15 =	vor.u32 s7, v5;
	v8 =	vsel vm0, v6, v7;
	vm0 =	vlt.u32 v11, v0;
	v9 =	vpop (erf)  }
0x195: {  	s3 =	sadd.s32 $0x50, s3;
	[tilespmem:s0+$0xFFFFFFC0] =	vst v9;
	v8 =	vmul.f32 v9, v8;
	v9 =	vsel vm0, v6, v7;
	vm0 =	vlt.u32 v14, v0;
	v10 =	vpop (erf)  }
0x196: {  	vm1 =	vlt.u32 v15, v0;
	v11 =	vld [tilespmem:s3+$0xFFFFFFC0];
	[tilespmem:s0+$0xFFFFFFD0] =	vst v10;
	v9 =	vmul.f32 v10, v9;
	v10 =	vsel vm0, v6, v7;
	v13 =	vpop (erf)  }
0x197: {  	s6 =	sadd.s32 $0x50, s6;
	vm0 =	vlt.u32 v12, v0;
	v12 =	vsel vm1, v6, v7;
	v14 =	vld [tilespmem:s3+$0xFFFFFFD0];
	[tilespmem:s0+$0xFFFFFFE0] =	vst v13;
	v10 =	vmul.f32 v13, v10;
	v13 =	vpop (erf)  }
0x198: {  	v15 =	vld [tilespmem:s3+$0xFFFFFFE0];
	_ =	sdelay $0x1  }
0x199: {  	[tilespmem:s0+$0x0] =	vst v13  }
0x19a: {  	v16 =	vld [tilespmem:s3+$0x0];
	v11 =	vsub.f32 $0.0e+00, v11  }
0x19b: {  	v17 =	vld [tilespmem:s3+$0xFFFFFFF0];
	v14 =	vsub.f32 $0.0e+00, v14  }
0x19c: {  	v11 =	vmul.f32 $1.442695020e+00, v11;
	v15 =	vsub.f32 $0.0e+00, v15  }
0x19d: {  	v14 =	vmul.f32 $1.442695020e+00, v14  }
0x19e: {  	(erf) = vpow2.f32 v11;
	v11 =	vmul.f32 $1.442695020e+00, v15  }
0x19f: {  	v16 =	vsub.f32 $0.0e+00, v16;
	(erf) = vpow2.f32 v14  }
0x1a0: {  	v15 =	vsub.f32 $0.0e+00, v17;
	(erf) = vpow2.f32 v11  }
0x1a1: {  	v16 =	vmul.f32 $1.442695020e+00, v16  }
0x1a2: {  	v11 =	vmul.f32 $1.442695020e+00, v15  }
0x1a3: {  	(erf) = vpow2.f32 v16;
	_ =	sdelay $0x1  }
0x1a4: {  	(erf) = vpow2.f32 v11  }
0x1a5: {  	v11 =	vpop (erf)  }
0x1a6: {  	v14 =	vpop (erf)  }
0x1a7: {  	v14 =	vadd.f32 $1.000000000e+00, v14;
	v15 =	vpop (erf)  }
0x1a8: {  	v15 =	vadd.f32 $1.000000000e+00, v15;
	v57 =	vpop (erf)  }
0x1a9: {  	v16 =	vadd.f32 $1.000000000e+00, v57;
	(erf) = vrcp.f32 v14  }
0x1aa: {  	(erf) = vrcp.f32 v15  }
0x1ab: {  	v14 =	vpop (erf);
	(erf) = vrcp.f32 v16  }
0x1ac: {  	s6 =	sadd.s32 $0x50, s23;
	v14 =	vadd.f32 $1.000000000e+00, v14  }
0x1ad: {  	[tilespmem:s6+$0xFFFFFFD0] =	vst v9;
	v9 =	vmul.f32 v13, v12;
	v15 =	vpop (erf)  }
0x1ae: {  	[tilespmem:s6+$0xFFFFFFC0] =	vst v8;
	v15 =	vadd.f32 $1.000000000e+00, v15;
	(erf) = vrcp.f32 v14;
	v14 =	vsel vm0, v6, v7  }
0x1af: {  	s7 =	sadd.s32 s17, s16;
	[tilespmem:s6+$0xFFFFFFE0] =	vst v10;
	v8 =	vmul.f32 v11, v14  }
0x1b0: {  	s8 =	sadd.s32 $0x1400, s7;
	[tilespmem:s6+$0x0] =	vst v9;
	(erf) = vrcp.f32 v15  }
0x1b1: {  	s17 =	sadd.s32 $0x1410, s7;
	[tilespmem:s6+$0xFFFFFFF0] =	vst v8;
	v8 =	vor.u32 s8, v5  }
0x1b2: {  	v9 =	vor.u32 s17, v5;
	[tilespmem:s0+$0xFFFFFFF0] =	vst v11;
	v10 =	vpop (erf);
	vm0 =	vlt.u32 v8, v0  }
0x1b3: {  	s8 =	sadd.s32 $0x1420, s7;
	[tilespmem:s3+$0xFFFFFFC0] =	vst v10;
	v12 =	vpop (erf);
	v13 =	vsel vm0, v6, v7;
	vm0 =	vlt.u32 v9, v0  }
0x1b4: {  	v8 =	vor.u32 s8, v5;
	[tilespmem:s3+$0xFFFFFFD0] =	vst v12;
	v14 =	vpop (erf);
	v10 =	vmul.f32 v10, v13;
	v13 =	vsel vm0, v6, v7  }
0x1b5: {  	s22 =	sadd.s32 $0x1440, s7;
	s23 =	sadd.s32 $0x50, s6;
	vm0 =	vlt.u32 v8, v0;
	[tilespmem:s3+$0xFFFFFFE0] =	vst v14;
	v12 =	vmul.f32 v12, v13  }
0x1b6: {  	s17 =	sadd.s32 $0x1430, s7;
	v9 =	vor.u32 s22, v5;
	v13 =	vsel vm0, v6, v7;
	[tilespmem:s23+$0xFFFFFFC0] =	vst v10  }
0x1b7: {  	v11 =	vor.u32 s17, v5;
	vm1 =	vlt.u32 v9, v0;
	v9 =	vmul.f32 v14, v13;
	v8 =	vpop (erf);
	[tilespmem:s23+$0xFFFFFFD0] =	vst v12  }
0x1b8: {  	vm0 =	vlt.u32 v11, v0;
	v10 =	vsel vm1, v6, v7;
	[tilespmem:s3+$0x0] =	vst v8  }
0x1b9: {  	v11 =	vsel vm0, v6, v7;
	v13 =	vpop (erf);
	v8 =	vmul.f32 v8, v10;
	[tilespmem:s23+$0xFFFFFFE0] =	vst v9  }
0x1ba: {  	v11 =	vmul.f32 v13, v11;
	[tilespmem:s3+$0xFFFFFFF0] =	vst v13  }
0x1bb: {  	[tilespmem:s23+$0x0] =	vst v8  }
0x1bc: {  	s6 =	simm.s32 $0x0;
	[tilespmem:s23+$0xFFFFFFF0] =	vst v11  }
0x1bd: {  	[hbm4b:s11+s6] =	stream.linear.scatter [tilespmem:s26], [sflag:$0x6], $0xA00, $0x38;
	[tilespmem:$0x16C68] =	vst v63  }
0x1be: {  	s7 =	simm.s32 $0x15828  }
0x1bf: {  	[hbm4b:s12+s6] =	stream.linear.scatter [tilespmem:s7], [sflag:$0x7], $0xA00, $0x38;
	[tilespmem:$0x16C68] =	vst v63  }
0x1c0: {  	_ =	swait.ge [sflag:s19], $0xA00  }
0x1c1: {  	[sflag:s19] =	ssyncset.done $0x0  }
0x1c2: {  	s3 =	simm.s32 $0x13A68;
	[sflag:s19] =	ssyncadd.s32 $0xFFFFF600  }
0x1c3: {  	v8 =	vld [tilespmem:s3+$0xFFFFFFC0];
	_ =	sdelay $0x2  }
0x1c4: {  	v9 =	vld [tilespmem:s3+$0xFFFFFFD0];
	_ =	sdelay $0x1  }
0x1c5: {  	v10 =	vld [tilespmem:s3+$0xFFFFFFE0];
	v8 =	vsub.f32 $0.0e+00, v8;
	_ =	sdelay $0x1  }
0x1c6: {  	v11 =	vld [tilespmem:s3+$0x0];
	v8 =	vmul.f32 $1.442695020e+00, v8  }
0x1c7: {  	v9 =	vsub.f32 $0.0e+00, v9  }
0x1c8: {  	(erf) = vpow2.f32 v8  }
0x1c9: {  	v10 =	vsub.f32 $0.0e+00, v10;
	v9 =	vmul.f32 $1.442695020e+00, v9;
	v8 =	vld [tilespmem:s3+$0xFFFFFFF0];
	_ =	sdelay $0x1  }
0x1ca: {  	v11 =	vsub.f32 $0.0e+00, v11;
	v10 =	vmul.f32 $1.442695020e+00, v10;
	(erf) = vpow2.f32 v9;
	_ =	sdelay $0x1  }
0x1cb: {  	v9 =	vmul.f32 $1.442695020e+00, v11;
	(erf) = vpow2.f32 v10  }
0x1cc: {  	v8 =	vsub.f32 $0.0e+00, v8;
	_ =	sdelay $0x1  }
0x1cd: {  	(erf) = vpow2.f32 v9;
	v8 =	vmul.f32 $1.442695020e+00, v8  }
0x1ce: {  	v9 =	vpop (erf)  }
0x1cf: {  	v9 =	vadd.f32 $1.000000000e+00, v9;
	_ =	sdelay $0x1  }
0x1d0: {  	(erf) = vpow2.f32 v8;
	v8 =	vpop (erf)  }
0x1d1: {  	v8 =	vadd.f32 $1.000000000e+00, v8  }
0x1d2: {  	(erf) = vrcp.f32 v9;
	v9 =	vpop (erf)  }
0x1d3: {  	v9 =	vadd.f32 $1.000000000e+00, v9  }
0x1d4: {  	(erf) = vrcp.f32 v8  }
0x1d5: {  	v8 =	vpop (erf);
	(erf) = vrcp.f32 v9  }
0x1d6: {  	v8 =	vadd.f32 $1.000000000e+00, v8;
	_ =	sdelay $0x1  }
0x1d7: {  	(erf) = vrcp.f32 v8;
	_ =	sdelay $0x2  }
0x1d8: {  	v8 =	vpop (erf)  }
0x1d9: {  	v9 =	vpop (erf)  }
0x1da: {  	s0 =	simm.s32 $0x13AB8;
	[tilespmem:s3+$0xFFFFFFC0] =	vst v9;
	v10 =	vpop (erf)  }
0x1db: {  	v11 =	vld [tilespmem:s0+$0xFFFFFFC0];
	[tilespmem:s3+$0xFFFFFFD0] =	vst v10;
	v12 =	vpop (erf)  }
0x1dc: {  	v13 =	vld [tilespmem:s0+$0xFFFFFFD0];
	[tilespmem:s3+$0xFFFFFFE0] =	vst v12  }
0x1dd: {  	v15 =	vld [tilespmem:s0+$0xFFFFFFE0]  }
0x1de: {  	v14 =	vpop (erf)  }
0x1df: {  	[tilespmem:s3+$0x0] =	vst v14  }
0x1e0: {  	v8 =	vadd.f32 $1.000000000e+00, v8;
	v11 =	vsub.f32 $0.0e+00, v11;
	v58 =	vld [tilespmem:s0+$0x0]  }
0x1e1: {  	v13 =	vsub.f32 $0.0e+00, v13  }
0x1e2: {  	(erf) = vrcp.f32 v8;
	v11 =	vmul.f32 $1.442695020e+00, v11;
	v8 =	vsub.f32 $0.0e+00, v15;
	v15 =	vld [tilespmem:s0+$0xFFFFFFF0]  }
0x1e3: {  	v13 =	vmul.f32 $1.442695020e+00, v13  }
0x1e4: {  	(erf) = vpow2.f32 v11  }
0x1e5: {  	(erf) = vpow2.f32 v13;
	v11 =	vsub.f32 $0.0e+00, v58;
	v8 =	vmul.f32 $1.442695020e+00, v8;
	_ =	sdelay $0x1  }
0x1e6: {  	v11 =	vmul.f32 $1.442695020e+00, v11;
	(erf) = vpow2.f32 v8;
	v8 =	vsub.f32 $0.0e+00, v15;
	_ =	sdelay $0x1  }
0x1e7: {  	v8 =	vmul.f32 $1.442695020e+00, v8  }
0x1e8: {  	(erf) = vpow2.f32 v11  }
0x1e9: {  	s6 =	sadd.s32 $0x0, s16;
	v11 =	vpop (erf);
	(erf) = vpow2.f32 v8  }
0x1ea: {  	s8 =	sadd.s32 $0x1E00, s6  }
0x1eb: {  	v13 =	vor.u32 s8, v5;
	v8 =	vpop (erf)  }
0x1ec: {  	s17 =	sadd.s32 $0x1E10, s6;
	vm0 =	vlt.u32 v13, v0;
	v59 =	vpop (erf)  }
0x1ed: {  	v61 =	vsel vm0, v6, v7;
	v15 =	vor.u32 s17, v5;
	v13 =	vadd.f32 $1.000000000e+00, v59  }
0x1ee: {  	s23 =	sadd.s32 $0x1E30, s6;
	v9 =	vmul.f32 v9, v61;
	vm0 =	vlt.u32 v15, v0;
	v8 =	vadd.f32 $1.000000000e+00, v8  }
0x1ef: {  	s22 =	sadd.s32 $0x1E20, s6;
	v62 =	vor.u32 s23, v5;
	v63 =	vsel vm0, v6, v7;
	v60 =	vpop (erf)  }
0x1f0: {  	(erf) = vrcp.f32 v8;
	v8 =	vor.u32 s22, v5;
	v16 =	vadd.f32 $1.000000000e+00, v60  }
0x1f1: {  	s23 =	simm.s32 $0x16268;
	(erf) = vrcp.f32 v13;
	vm0 =	vlt.u32 v8, v0;
	v8 =	vmul.f32 v10, v63;
	v13 =	vpop (erf)  }
0x1f2: {  	[tilespmem:s23+$0xFFFFFFC0] =	vst v9;
	v13 =	vadd.f32 $1.000000000e+00, v13;
	v9 =	vpop (erf)  }
0x1f3: {  	s6 =	sadd.s32 $0x1E40, s6;
	(erf) = vrcp.f32 v16;
	[tilespmem:s23+$0xFFFFFFD0] =	vst v8;
	v8 =	vadd.f32 $1.000000000e+00, v9  }
0x1f4: {  	vm1 =	vlt.u32 v62, v0;
	v15 =	vor.u32 s6, v5;
	(erf) = vrcp.f32 v13  }
0x1f5: {  	s6 =	sadd.s32 $0x50, s16;
	v10 =	vsel vm0, v6, v7;
	vm0 =	vlt.u32 v15, v0;
	(erf) = vrcp.f32 v8  }
0x1f6: {  	s17 =	sadd.s32 $0x1E00, s6;
	v10 =	vmul.f32 v12, v10;
	v12 =	vsel vm0, v6, v7;
	v13 =	vsel vm1, v6, v7  }
0x1f7: {  	[tilespmem:s3+$0xFFFFFFF0] =	vst v11;
	s22 =	sadd.s32 $0x1E10, s6;
	v9 =	vmul.f32 v14, v12;
	v12 =	vmul.f32 v11, v13;
	v8 =	vor.u32 s17, v5  }
0x1f8: {  	[tilespmem:s23+$0xFFFFFFE0] =	vst v10;
	v10 =	vor.u32 s22, v5;
	s22 =	sadd.s32 $0x1E30, s6;
	s17 =	sadd.s32 $0x1E20, s6;
	s6 =	sadd.s32 $0x1E40, s6;
	vm0 =	vlt.u32 v8, v0  }
0x1f9: {  	[tilespmem:s23+$0x0] =	vst v9;
	v13 =	vpop (erf);
	v8 =	vsel vm0, v6, v7;
	vm0 =	vlt.u32 v10, v0;
	v10 =	vor.u32 s6, v5  }
0x1fa: {  	v14 =	vor.u32 s17, v5;
	[tilespmem:s0+$0xFFFFFFC0] =	vst v13;
	v8 =	vmul.f32 v13, v8;
	v13 =	vsel vm0, v6, v7  }
0x1fb: {  	s3 =	simm.s32 $0x13B08;
	v15 =	vor.u32 s22, v5;
	[tilespmem:s23+$0xFFFFFFF0] =	vst v12;
	vm0 =	vlt.u32 v14, v0;
	v12 =	vpop (erf)  }
0x1fc: {  	vm1 =	vlt.u32 v10, v0;
	v11 =	vld [tilespmem:s3+$0xFFFFFFC0];
	[tilespmem:s0+$0xFFFFFFD0] =	vst v12;
	v9 =	vmul.f32 v12, v13;
	v12 =	vsel vm0, v6, v7;
	v10 =	vpop (erf)  }
0x1fd: {  	s17 =	simm.s32 $0xA0;
	s6 =	simm.s32 $0xF0;
	vm0 =	vlt.u32 v15, v0;
	v14 =	vld [tilespmem:s3+$0xFFFFFFD0];
	[tilespmem:s0+$0xFFFFFFE0] =	vst v10;
	v10 =	vmul.f32 v10, v12;
	v12 =	vsel vm1, v6, v7;
	v13 =	vpop (erf)  }
.LBB2_8:
0x1fe: {  	p3 =	sne.s32 s6, $0x9B0;
	v15 =	vld [tilespmem:s3+$0xFFFFFFE0];
	v16 =	vsel vm0, v6, v7;
	[tilespmem:s0+$0x0] =	vst v13;
	v12 =	vmul.f32 v13, v12;
	v13 =	vpop (erf);
	s23 =	sadd.s32 $0x50, s23  }
0x1ff: {  	v17 =	vld [tilespmem:s3+$0x0];
	[tilespmem:s23+$0xFFFFFFC0] =	vst v8;
	v8 =	vmul.f32 v13, v16  }
0x200: {  	v16 =	vld [tilespmem:s3+$0xFFFFFFF0];
	[tilespmem:s23+$0xFFFFFFD0] =	vst v9  }
0x201: {  	v9 =	vsub.f32 $0.0e+00, v11;
	[tilespmem:s23+$0xFFFFFFE0] =	vst v10  }
0x202: {  	v10 =	vsub.f32 $0.0e+00, v14;
	[tilespmem:s23+$0xFFFFFFF0] =	vst v8  }
0x203: {  	v8 =	vmul.f32 $1.442695020e+00, v9;
	v9 =	vsub.f32 $0.0e+00, v15;
	[tilespmem:s23+$0x0] =	vst v12  }
0x204: {  	v10 =	vmul.f32 $1.442695020e+00, v10;
	v11 =	vsub.f32 $0.0e+00, v17;
	[tilespmem:s0+$0xFFFFFFF0] =	vst v13;
	s0 =	smov.u32 s3  }
0x205: {  	v9 =	vmul.f32 $1.442695020e+00, v9;
	v12 =	vsub.f32 $0.0e+00, v16;
	(erf) = vpow2.f32 v8  }
0x206: {  	v8 =	vmul.f32 $1.442695020e+00, v11;
	(erf) = vpow2.f32 v10  }
0x207: {  	v10 =	vmul.f32 $1.442695020e+00, v12;
	(erf) = vpow2.f32 v9  }
0x208: {  	(erf) = vpow2.f32 v8  }
0x209: {  	(erf) = vpow2.f32 v10;
	_ =	sdelay $0x4  }
0x20a: {  	v8 =	vpop (erf)  }
0x20b: {  	v11 =	vadd.f32 $1.000000000e+00, v8;
	v9 =	vpop (erf)  }
0x20c: {  	v12 =	vadd.f32 $1.000000000e+00, v9;
	v10 =	vpop (erf)  }
0x20d: {  	v10 =	vadd.f32 $1.000000000e+00, v10;
	(erf) = vrcp.f32 v11;
	v8 =	vpop (erf)  }
0x20e: {  	v8 =	vadd.f32 $1.000000000e+00, v8;
	(erf) = vrcp.f32 v12;
	v9 =	vpop (erf)  }
0x20f: {  	v9 =	vadd.f32 $1.000000000e+00, v9;
	(erf) = vrcp.f32 v10  }
0x210: {  	(erf) = vrcp.f32 v8  }
0x211: {  	(erf) = vrcp.f32 v9  }
0x212: {  	s7 =	sadd.s32 s17, s16;
	s17 =	smov.u32 s6  }
0x213: {  	s8 =	sadd.s32 $0x1E00, s7;
	s22 =	sadd.s32 $0x1E10, s7  }
0x214: {  	v11 =	vor.u32 s22, v5;
	s22 =	sadd.s32 $0x1E30, s7;
	v8 =	vor.u32 s8, v5;
	s8 =	sadd.s32 $0x1E20, s7  }
.Ltmp3:
0x215: {  	v12 =	vor.u32 s22, v5;
	s7 =	sadd.s32 $0x1E40, s7;
	vm0 =	vlt.u32 v8, v0;
	v14 =	vor.u32 s8, v5;
	(pc) =	sbr.rel @p3 .LBB2_8-.Ltmp3, $4  }
0x216: {  	v15 =	vor.u32 s7, v5;
	v8 =	vsel vm0, v6, v7;
	vm0 =	vlt.u32 v11, v0;
	v9 =	vpop (erf)  }
0x217: {  	s3 =	sadd.s32 $0x50, s3;
	[tilespmem:s0+$0xFFFFFFC0] =	vst v9;
	v8 =	vmul.f32 v9, v8;
	v9 =	vsel vm0, v6, v7;
	vm0 =	vlt.u32 v14, v0;
	v10 =	vpop (erf)  }
0x218: {  	vm1 =	vlt.u32 v15, v0;
	v11 =	vld [tilespmem:s3+$0xFFFFFFC0];
	[tilespmem:s0+$0xFFFFFFD0] =	vst v10;
	v9 =	vmul.f32 v10, v9;
	v10 =	vsel vm0, v6, v7;
	v13 =	vpop (erf)  }
0x219: {  	s6 =	sadd.s32 $0x50, s6;
	vm0 =	vlt.u32 v12, v0;
	v12 =	vsel vm1, v6, v7;
	v14 =	vld [tilespmem:s3+$0xFFFFFFD0];
	[tilespmem:s0+$0xFFFFFFE0] =	vst v13;
	v10 =	vmul.f32 v13, v10;
	v13 =	vpop (erf)  }
0x21a: {  	v15 =	vld [tilespmem:s3+$0xFFFFFFE0]  }
0x21b: {  	[tilespmem:s0+$0x0] =	vst v13  }
0x21c: {  	v16 =	vld [tilespmem:s3+$0x0]  }
0x21d: {  	v11 =	vsub.f32 $0.0e+00, v11  }
0x21e: {  	v14 =	vsub.f32 $0.0e+00, v14  }
0x21f: {  	v17 =	vld [tilespmem:s3+$0xFFFFFFF0];
	v11 =	vmul.f32 $1.442695020e+00, v11;
	v15 =	vsub.f32 $0.0e+00, v15  }
0x220: {  	v14 =	vmul.f32 $1.442695020e+00, v14  }
0x221: {  	v16 =	vsub.f32 $0.0e+00, v16;
	(erf) = vpow2.f32 v11;
	v38 =	vmul.f32 $1.442695020e+00, v15  }
0x222: {  	(erf) = vpow2.f32 v14  }
0x223: {  	v16 =	vmul.f32 $1.442695020e+00, v16;
	(erf) = vpow2.f32 v38  }
0x224: {  	v39 =	vsub.f32 $0.0e+00, v17  }
0x225: {  	(erf) = vpow2.f32 v16  }
0x226: {  	v40 =	vmul.f32 $1.442695020e+00, v39;
	_ =	sdelay $0x1  }
0x227: {  	(erf) = vpow2.f32 v40  }
0x228: {  	v41 =	vpop (erf)  }
0x229: {  	v42 =	vpop (erf)  }
0x22a: {  	v14 =	vadd.f32 $1.000000000e+00, v42;
	v43 =	vpop (erf)  }
0x22b: {  	v15 =	vadd.f32 $1.000000000e+00, v43;
	v44 =	vpop (erf)  }
0x22c: {  	v16 =	vadd.f32 $1.000000000e+00, v44;
	(erf) = vrcp.f32 v14  }
0x22d: {  	v45 =	vpop (erf);
	(erf) = vrcp.f32 v15  }
0x22e: {  	v14 =	vadd.f32 $1.000000000e+00, v45;
	(erf) = vrcp.f32 v16  }
0x22f: {  	s6 =	sadd.s32 $0x50, s23  }
0x230: {  	[tilespmem:s6+$0xFFFFFFC0] =	vst v8;
	v46 =	vpop (erf);
	(erf) = vrcp.f32 v14  }
0x231: {  	[tilespmem:s6+$0xFFFFFFD0] =	vst v9;
	v15 =	vadd.f32 $1.000000000e+00, v46  }
0x232: {  	v47 =	vsel vm0, v6, v7;
	v49 =	vmul.f32 v13, v12;
	s7 =	sadd.s32 s17, s16;
	[tilespmem:s6+$0xFFFFFFE0] =	vst v10  }
0x233: {  	v48 =	vmul.f32 v41, v47;
	[tilespmem:s0+$0xFFFFFFF0] =	vst v41;
	s17 =	sadd.s32 $0x1E00, s7;
	(erf) = vrcp.f32 v15  }
0x234: {  	[tilespmem:s6+$0x0] =	vst v49;
	v50 =	vor.u32 s17, v5  }
0x235: {  	s8 =	sadd.s32 $0x1E10, s7;
	[tilespmem:s6+$0xFFFFFFF0] =	vst v48;
	vm12 =	vlt.u32 v50, v0;
	v52 =	vpop (erf)  }
0x236: {  	s22 =	sadd.s32 $0x1E20, s7;
	v51 =	vor.u32 s8, v5;
	v56 =	vsel vm12, v6, v7;
	[tilespmem:s3+$0xFFFFFFC0] =	vst v52;
	v55 =	vpop (erf)  }
0x237: {  	s23 =	sadd.s32 $0x1E30, s7;
	v53 =	vor.u32 s22, v5;
	vm13 =	vlt.u32 v51, v0;
	v10 =	vmul.f32 v52, v56;
	[tilespmem:s3+$0xFFFFFFD0] =	vst v55;
	v58 =	vpop (erf)  }
0x238: {  	v54 =	vor.u32 s23, v5;
	s17 =	sadd.s32 $0x1E40, s7;
	s22 =	sadd.s32 $0x50, s6;
	vm14 =	vlt.u32 v53, v0;
	v59 =	vsel vm13, v6, v7;
	[tilespmem:s3+$0xFFFFFFE0] =	vst v58  }
0x239: {  	v57 =	vor.u32 s17, v5;
	v61 =	vsel vm14, v6, v7;
	v12 =	vmul.f32 v55, v59;
	v60 =	vpop (erf);
	[tilespmem:s22+$0xFFFFFFC0] =	vst v10  }
0x23a: {  	vm15 =	vlt.u32 v54, v0;
	vm1 =	vlt.u32 v57, v0;
	v62 =	vmul.f32 v58, v61;
	[tilespmem:s3+$0x0] =	vst v60  }
0x23b: {  	v11 =	vsel vm15, v6, v7;
	v6 =	vsel vm1, v6, v7;
	[tilespmem:s22+$0xFFFFFFD0] =	vst v12  }
0x23c: {  	v63 =	vpop (erf);
	v6 =	vmul.f32 v60, v6;
	[tilespmem:s22+$0xFFFFFFE0] =	vst v62  }
0x23d: {  	v7 =	vmul.f32 v63, v11;
	[tilespmem:s3+$0xFFFFFFF0] =	vst v63  }
0x23e: {  	[tilespmem:s22+$0x0] =	vst v6  }
0x23f: {  	[tilespmem:s22+$0xFFFFFFF0] =	vst v7  }
0x240: {  	[hbm4b:s13+s5] =	stream.linear.scatter [tilespmem:s29], [sflag:$0x6], $0xA00, $0x38;
	[tilespmem:$0x16C68] =	vst v63  }
0x241: {  	s23 =	simm.s32 $0x16228  }
0x242: {  	[hbm4b:s14+s5] =	stream.linear.scatter [tilespmem:s23], [sflag:$0x7], $0xA00, $0x38;
	[tilespmem:$0x16C68] =	vst v63  }
0x243: {  	s0 =	simm.s32 @!p2 $0x0;
	s6 =	rddreg [dreg:$0x3];
	s3 =	simm.s32 @!p2 $0x16C40  }
0x244: {  	[hbm4b:s6+s0] =	stream.linear.scatter @!p2 [tilespmem:s3], [sflag:$0x8], $0x14, $0x38;
	[tilespmem:$0x16C68] =	vst v63  }
0x245: {  	s0 =	simm.s32 @!p2 $0x8  }
0x246: {  	_ =	swait.ge @!p2 [sflag:s0], $0x14  }
0x247: {  	[sflag:s0] =	ssyncset.done @!p2 $0x0  }
0x248: {  	[sflag:s0] =	ssyncadd.s32 @!p2 $0xFFFFFFEC  }
0x249: {  	_ =	swait.ge [sflag:s25], $0xA00  }
0x24a: {  	[sflag:s25] =	ssyncset.done $0x0  }
0x24b: {  	[sflag:s25] =	ssyncadd.s32 $0xFFFFF600  }
0x24c: {  	_ =	swait.ge [sflag:s28], $0xA00  }
0x24d: {  	[sflag:s28] =	ssyncset.done $0x0  }
0x24e: {  	[sflag:s28] =	ssyncadd.s32 $0xFFFFF600  }
0x24f: {  	_ =	swait.ge [sflag:s25], $0xA00  }
0x250: {  	[sflag:s25] =	ssyncset.done $0x0  }
0x251: {  	[sflag:s25] =	ssyncadd.s32 $0xFFFFF600  }
0x252: {  	_ =	swait.ge [sflag:s28], $0xA00  }
0x253: {  	[sflag:s28] =	ssyncset.done $0x0  }
0x254: {  	[sflag:s28] =	ssyncadd.s32 $0xFFFFF600  }
0x255: {  	_ =	swait.ge [sflag:s25], $0xA00  }
0x256: {  	[sflag:s25] =	ssyncset.done $0x0  }
0x257: {  	[sflag:s25] =	ssyncadd.s32 $0xFFFFF600  }
0x258: {  	_ =	swait.ge [sflag:s28], $0xA00  }
0x259: {  	[sflag:s28] =	ssyncset.done $0x0  }
0x25a: {  	s31 =	sadd.s32 $0x1, s31;
	[sflag:s28] =	ssyncadd.s32 $0xFFFFF600  }
0x25b: {  	p3 =	sne.s32 s31, s15;
	_ =	swait.ge [sflag:s25], $0xA00  }
.Ltmp4:
0x25c: {  	[sflag:s25] =	ssyncset.done $0x0;
	(pc) =	sbr.rel @p3 .LBB2_1-.Ltmp4, $4  }
0x25d: {  	[sflag:s25] =	ssyncadd.s32 $0xFFFFF600  }
0x25e: {  	_ =	swait.ge [sflag:s28], $0xA00  }
0x25f: {  	[sflag:s28] =	ssyncset.done $0x0  }
0x260: {  	[sflag:s28] =	ssyncadd.s32 $0xFFFFF600  }
0x261: {  	_ =	sfence.sel $0x180000  }
0x262: {  	[bflag:$0x0] =	sbarrier.arrive $0xFFFF  }
0x263: {  	_ =	strace $0x90000047  }
0x264: {  	s0 =	stileid.u32;
	[bflag:$0x2] =	sbarrier.arrive $0xFFFF  }
0x265: {  	p0 =	sne.s32 s0, $0x0;
	s0 =	rddreg [dreg:$0x5]  }
0x266: {  	s0 =	sadd.s32 @!p0 $0x100000, s0  }
0x267: {  	[sflag:s0] =	ssyncadd.tile.s32 @!p0 $0x1;
	_ =	shalt  }
.Lfunc_end2:
_tile_overlayer_lowered:
.L_overlay_start_2:
0x268: {  	(tag) =	ssettag $0x2  }
0x269: {  	s0 =	rddreg [dreg:$0x0];
	s2 =	stileid.u32  }
0x26a: {  	s1 =	rddreg [dreg:$0x1];
	p0 =	sne.s32 s2, $0x0  }
0x26b: {  	s3 =	rddreg [dreg:$0x2];
	[bflag:$0x3] =	sbarrier.arrive $0xFFFF;
	s2 =	simm.s32 @!p0 $0x1C02  }
0x26c: {  	[timem:s3], [sflag:s2] =	dma.local @!p0 [hbm:s0], s1  }
0x26d: {  	s0 =	simm.s32 @!p0 $0x2  }
0x26e: {  	_ =	swait.ge @!p0 [sflag:s0], s1  }
0x26f: {  	s1 =	ssub.s32 @!p0 $0x0, s1;
	[sflag:s0] =	ssyncset.done @!p0 $0x0  }
0x270: {  	[sflag:s0] =	ssyncadd.s32 @!p0 s1  }
0x271: {  	[bflag:$0x3] =	sbarrier.arrive $0xFFFF  }
0x272: {  	_ =	shalt  }

</sc_bundles>
